<compile_context>
chip_gen: v7x
topology: tpu7x:2x2x1
jax: 0.10.2.dev20260603
libtpu: 0.0.44.dev20260713+nightly
codegen_flags: <defaults>
</compile_context>

<pallas_src>
import functools

import jax
import jax.numpy as jnp
import numpy as np
from jax import lax
from jax.experimental import pallas as pl
from jax.experimental.pallas import tpu as pltpu
from jax.experimental.pallas import tpu_sc as plsc

_CUBE_CORNERS = np.array(
    [[0, 0, 0], [1, 0, 0], [0, 1, 0], [1, 1, 0],
     [0, 0, 1], [1, 0, 1], [0, 1, 1], [1, 1, 1]], dtype=np.float32)
_CUBE_EDGES = np.array(
    [0, 1, 1, 5, 4, 5, 0, 4, 2, 3, 3, 7, 6, 7, 2, 6, 2, 0, 3, 1, 7, 5, 6, 4],
    dtype=np.int32).reshape(12, 2)

_NC, _NS, _L = 2, 16, 16
_NW = _NC * _NS
_K = 4096


def _gather_body(k, table_hbm, idx_hbm, out_hbm, idx_v, rows_v, sem):
    wid = lax.axis_index("s") * _NC + lax.axis_index("c")
    n_idx = idx_hbm.shape[0]
    per_w = n_idx // _NW
    base = wid * per_w
    steps = per_w // k

    def step(j, _):
        off = base + j * k
        pltpu.sync_copy(idx_hbm.at[pl.ds(off, k)], idx_v)
        pltpu.async_copy(table_hbm.at[idx_v], rows_v, sem).wait()
        pltpu.sync_copy(rows_v, out_hbm.at[pl.ds(off, k)])
        return 0

    lax.fori_loop(0, steps, step, 0)


def _sc_gather(table, flat_idx, k=_K):
    n_idx = flat_idx.shape[0]
    d = table.shape[1]
    mesh = plsc.VectorSubcoreMesh(core_axis_name="c", subcore_axis_name="s",
                                  num_cores=_NC, num_subcores=_NS)
    kern = pl.kernel(
        functools.partial(_gather_body, k),
        out_type=jax.ShapeDtypeStruct((n_idx, d), jnp.float32),
        mesh=mesh,
        compiler_params=pltpu.CompilerParams(use_tc_tiling_on_sc=False),
        scratch_types=[
            pltpu.VMEM((k,), jnp.int32),
            pltpu.VMEM((k, d), jnp.float32),
            pltpu.SemaphoreType.DMA,
        ],
    )
    return kern(table, flat_idx)


def _dense_body(g_ref, b_ref, a_ref, gm_ref, o_ref):
    ws = 0.99
    gt = g_ref[...].T
    s = [gt[16 * c + 3] for c in range(8)]
    px = [gt[16 * c + 0] for c in range(8)]
    py = [gt[16 * c + 1] for c in range(8)]
    pz = [gt[16 * c + 2] for c in range(8)]

    cnt = s[0] < 0
    cnt = cnt.astype(jnp.int32)
    for c in range(1, 8):
        cnt = cnt + (s[c] < 0).astype(jnp.int32)
    surf = (cnt > 0) & (cnt < 8)

    at = a_ref[...].T
    bt = b_ref[...].T
    a_n = [jnp.tanh(at[c]) * ws + 1.0 for c in range(8)]
    gamma_n = jax.nn.sigmoid(gm_ref[...].T[0]) * ws + (1.0 - ws) / 2.0

    rows = []
    for e in range(12):
        c0, c1 = int(_CUBE_EDGES[e, 0]), int(_CUBE_EDGES[e, 1])
        s0, s1 = s[c0], s[c1]
        w0 = a_n[c0] * jnp.abs(s0)
        w1 = a_n[c1] * jnp.abs(s1)
        t = w0 / (w0 + w1 + 1e-8)
        active = (s0 * s1) < 0
        active = active & surf
        beta_n = jnp.tanh(bt[e]) * ws + 1.0
        scale = jnp.where(active, beta_n * gamma_n, 0.0)
        u = 1.0 - t
        rows.append((px[c0] * u + px[c1] * t) * scale)
        rows.append((py[c0] * u + py[c1] * t) * scale)
        rows.append((pz[c0] * u + pz[c1] * t) * scale)

    o_ref[...] = jnp.stack(rows, axis=0).T


def _tc_dense(g, beta, alpha, gamma2d, n_cubes):
    B = 512
    grid = n_cubes // B

    def spec(cols):
        return pl.BlockSpec((B, cols), lambda i: (i, 0))

    return pl.pallas_call(
        _dense_body,
        out_shape=jax.ShapeDtypeStruct((n_cubes, 36), jnp.float32),
        grid=(grid,),
        in_specs=[spec(128), spec(12), spec(8), spec(1)],
        out_specs=spec(36),
    )(g, beta, alpha, gamma2d)


def kernel(voxel_coords, sdf, cube_idx, resolution, deform, beta, alpha, gamma):
    N = cube_idx.shape[0]
    M = sdf.shape[0]

    flat = cube_idx.reshape(-1)
    iidx = jnp.arange(N * 8, dtype=jnp.int32)
    W = jnp.zeros((M,), jnp.int32).at[flat].max(iidx)
    wn = W >> 3
    wc = W & 7
    vox16 = jnp.pad(voxel_coords.astype(jnp.float32), ((0, 0), (0, 13)))
    chunk = 2048
    mp = -(-M // (_NW * chunk)) * (_NW * chunk)
    wn_p = jnp.pad(wn, (0, mp - M))
    vg = _sc_gather(vox16, wn_p, chunk)[:M]
    corner = jnp.stack(
        [(wc & 1), ((wc >> 1) & 1), ((wc >> 2) & 1)], axis=1
    ).astype(jnp.float32)
    pos = vg[:, :3] + corner
    world_scale = 2.0 / resolution
    world = (pos + 0.5) * world_scale - 1.0 + deform
    table = jnp.concatenate([world, sdf[:, None]], axis=1)
    table16 = jnp.pad(table, ((0, 0), (0, 12)))

    g = _sc_gather(table16, flat)

    out = _tc_dense(g.reshape(N, 128), beta, alpha,
                    gamma.reshape(N, 1), N)
    return out.reshape(N * 12, 3)

# --- scband reference (transcript-rebuilt; emitter-appended) ---
"""Pipeline reference for scband-sparse-diff-dmc-90426241450488 (READ-ONLY COPY).

The authoritative reference and input builder live on the scoring server;
editing this copy changes nothing except your own understanding.
"""

import jax, jax.numpy as jnp
import numpy as np

CUBE_CORNERS = np.array([[0,0,0],[1,0,0],[0,1,0],[1,1,0],[0,0,1],[1,0,1],[0,1,1],[1,1,1]], dtype=np.float32)
CUBE_EDGES = np.array([0,1,1,5,4,5,0,4,2,3,3,7,6,7,2,6,2,0,3,1,7,5,6,4], dtype=np.int32).reshape(12, 2)

N_CUBES = 262144
M_CORNERS = 300000
RES = 256


def setup_inputs(seed: int = 0) -> dict:
    key = jax.random.key(seed)
    ks = jax.random.split(key, 8)
    voxel_coords = jax.random.randint(ks[0], (N_CUBES, 3), 0, RES, dtype=jnp.int32)
    sdf = jax.random.normal(ks[1], (M_CORNERS,), dtype=jnp.float32)
    cube_idx = jax.random.randint(ks[2], (N_CUBES, 8), 0, M_CORNERS, dtype=jnp.int32)
    deform = jax.random.normal(ks[3], (M_CORNERS, 3), dtype=jnp.float32) * 0.01
    beta = jax.random.normal(ks[4], (N_CUBES, 12), dtype=jnp.float32)
    alpha = jax.random.normal(ks[5], (N_CUBES, 8), dtype=jnp.float32)
    gamma = jax.random.normal(ks[6], (N_CUBES,), dtype=jnp.float32)
    return {
        'voxel_coords': voxel_coords,
        'sdf': sdf,
        'cube_idx': cube_idx,
        'resolution': RES,
        'deform': deform,
        'beta': beta,
        'alpha': alpha,
        'gamma': gamma,
    }


def reference(voxel_coords, sdf, cube_idx, resolution, deform, beta, alpha, gamma):
    N = voxel_coords.shape[0]
    M = sdf.shape[0]
    cube_corners = jnp.asarray(CUBE_CORNERS)
    cube_edges = jnp.asarray(CUBE_EDGES)
    isovalue = 0.0
    weight_scale = 0.99

    # scatter-overwrite unique corner positions (index_put_)
    cube_corner_pos = voxel_coords[:, None, :].astype(jnp.float32) + cube_corners[None, :, :]
    flat_indices = cube_idx.reshape(-1)
    flat_pos = cube_corner_pos.reshape(-1, 3)
    unique_corners_pos = jnp.zeros((M, 3), dtype=jnp.float32).at[flat_indices].set(flat_pos)

    world_scale = 2.0 / resolution
    grid_pos = unique_corners_pos + 0.5
    world_pos = grid_pos * world_scale - 1.0 + deform

    scalar_field = sdf - isovalue

    # identify surface cubes (gather occupancy through cube_idx)
    occ_n = scalar_field < 0
    occ_fx8 = occ_n[cube_idx.reshape(-1)].reshape(-1, 8)
    occ_sum = jnp.sum(occ_fx8, axis=-1)
    surf_cubes = (occ_sum > 0) & (occ_sum < 8)

    # normalize learnable topology weights (FlexiCubes-style)
    beta_n = jnp.tanh(beta) * weight_scale + 1.0
    alpha_n = jnp.tanh(alpha) * weight_scale + 1.0
    gamma_n = jax.nn.sigmoid(gamma) * weight_scale + (1.0 - weight_scale) / 2.0

    # per-cube edges: gather endpoints (scalar field, positions, alpha weights)
    edges = cube_idx[:, cube_edges]                     # [N,12,2]
    sdf_e = scalar_field[edges]                         # [N,12,2]
    pos_e = world_pos[edges]                            # [N,12,2,3]
    alpha_e = alpha_n[:, cube_edges]                    # [N,12,2]

    s0 = sdf_e[..., 0]
    s1 = sdf_e[..., 1]
    a0 = alpha_e[..., 0]
    a1 = alpha_e[..., 1]
    denom = a0 * jnp.abs(s0) + a1 * jnp.abs(s1) + 1e-8
    t = (a0 * jnp.abs(s0)) / denom                      # alpha-weighted crossing param
    crossing = pos_e[..., 0, :] * (1.0 - t)[..., None] + pos_e[..., 1, :] * t[..., None]

    edge_cross = (s0 * s1) < 0
    active = (edge_cross & surf_cubes[:, None]).astype(jnp.float32)

    vertices = crossing * beta_n[..., None] * gamma_n[:, None, None] * active[..., None]
    return vertices.reshape(N * 12, 3)

if __name__ == "__main__":
    import jax
    _d = setup_inputs()
    print(jax.jit(kernel)(*tuple(_d.values())))

</pallas_src>

<mosaic_0001>
#map = affine_map<(d0, d1) -> (0, 0)>
#map1 = affine_map<(d0, d1) -> (0)>
module attributes {stable_mosaic.version = 14 : i64} {
  func.func @_gather_body(%arg0: i32, %arg1: i32, %arg2: memref<300000x16xf32, #tpu.memory_space<hbm>>, %arg3: memref<2097152xi32, #tpu.memory_space<hbm>>, %arg4: memref<2097152x16xf32, #tpu.memory_space<hbm>>, %arg5: memref<4096xi32, #tpu.memory_space<vmem>>, %arg6: memref<4096x16xf32, #tpu.memory_space<vmem>>, %arg7: memref<!tpu.dma_semaphore, #tpu.memory_space<semaphore_mem>>) attributes {dimension_semantics = [#tpu.dimension_semantics<core_parallel>, #tpu.dimension_semantics<subcore_parallel>], iteration_bounds = array<i64: 2, 16>, scalar_prefetch = 0 : i64, scratch_operands = 3 : i64, tpu.core_type = #tpu.core_type<sc_vector_subcore>, window_params = [{transform_indices = #map}, {transform_indices = #map1}, {transform_indices = #map}]} {
    %mul3A = arith.constant 2 : i32
    %mul3A_0 = arith.muli %arg1, %mul3A : i32
    %add3A = arith.addi %mul3A_0, %arg0 : i32
    %mul3A_1 = arith.constant 65536 : i32
    %mul3A_2 = arith.muli %add3A, %mul3A_1 : i32
    %scan3A = arith.constant 0 : i32
    %scan3A_3 = arith.constant 0 : i32
    %scan3A_4 = arith.constant 16 : i32
    %scan3A_5 = arith.addi %scan3A_3, %scan3A_4 : i32
    %scan3A_6 = arith.constant 1 : i32
    %scan3A_7 = scf.for %scan3A_9 = %scan3A_3 to %scan3A_5 step %scan3A_6 iter_args(%scan3A_10 = %scan3A) -> (i32)  : i32 {
      %mul3A_11 = arith.constant 4096 : i32
      %mul3A_12 = arith.muli %scan3A_9, %mul3A_11 : i32
      %add3A_13 = arith.addi %mul3A_2, %mul3A_12 : i32
      "tpu.region"() ({
        %run_scoped3A = tpu.sem_alloc : memref<!tpu.dma_semaphore, #tpu.memory_space<semaphore_mem>>
        %dma_start3A_19 = tpu.memref_slice %arg3[%add3A_13] : memref<2097152xi32, #tpu.memory_space<hbm>> -> memref<4096xi32, #tpu.memory_space<hbm>>
        %dma_start3A_20 = tpu.memref_slice %arg3[%add3A_13] : memref<2097152xi32, #tpu.memory_space<hbm>> -> memref<4096xi32, #tpu.memory_space<hbm>>
        tpu.enqueue_dma source(%dma_start3A_20 : memref<4096xi32, #tpu.memory_space<hbm>>) target(%arg5 : memref<4096xi32, #tpu.memory_space<vmem>>) target_semaphore(%run_scoped3A : memref<!tpu.dma_semaphore, #tpu.memory_space<semaphore_mem>>)
        %dma_wait3A_21 = tpu.memref_slice %arg3[%add3A_13] : memref<2097152xi32, #tpu.memory_space<hbm>> -> memref<4096xi32, #tpu.memory_space<hbm>>
        %dma_wait3A_22 = tpu.memref_slice %arg3[%add3A_13] : memref<2097152xi32, #tpu.memory_space<hbm>> -> memref<4096xi32, #tpu.memory_space<hbm>>
        tpu.wait_dma2 semaphore(%run_scoped3A : memref<!tpu.dma_semaphore, #tpu.memory_space<semaphore_mem>>) src(%dma_wait3A_22 : memref<4096xi32, #tpu.memory_space<hbm>>) dst(%arg5 : memref<4096xi32, #tpu.memory_space<vmem>>)
        tpu.yield
      }) : () -> ()
      %dma_start3A = arith.constant 0 : i32
      %dma_start3A_14 = arith.constant 0 : i32
      %dma_start3A_15 = tpu.memref_slice %arg2[%dma_start3A, %dma_start3A_14] : memref<300000x16xf32, #tpu.memory_space<hbm>> -> memref<300000x16xf32, #tpu.memory_space<hbm>>
      tpu.enqueue_indirect_dma source(%dma_start3A_15 : memref<300000x16xf32, #tpu.memory_space<hbm>>) target(%arg6 : memref<4096x16xf32, #tpu.memory_space<vmem>>) offsets(%arg5 : memref<4096xi32, #tpu.memory_space<vmem>>) semaphore(%arg7 : memref<!tpu.dma_semaphore, #tpu.memory_space<semaphore_mem>>)
      %dma_wait3A = arith.constant 0 : i32
      %dma_wait3A_16 = arith.constant 0 : i32
      %dma_wait3A_17 = tpu.memref_slice %arg2[%dma_wait3A, %dma_wait3A_16] : memref<300000x16xf32, #tpu.memory_space<hbm>> -> memref<300000x16xf32, #tpu.memory_space<hbm>>
      tpu.wait_indirect_dma semaphore(%arg7 : memref<!tpu.dma_semaphore, #tpu.memory_space<semaphore_mem>>) src(%dma_wait3A_17 : memref<300000x16xf32, #tpu.memory_space<hbm>>) dst(%arg6 : memref<4096x16xf32, #tpu.memory_space<vmem>>)
      "tpu.region"() ({
        %run_scoped3A = tpu.sem_alloc : memref<!tpu.dma_semaphore, #tpu.memory_space<semaphore_mem>>
        %dma_start3A_19 = arith.constant 0 : i32
        %dma_start3A_20 = tpu.memref_slice %arg4[%add3A_13, %dma_start3A_19] : memref<2097152x16xf32, #tpu.memory_space<hbm>> -> memref<4096x16xf32, #tpu.memory_space<hbm>>
        %dma_start3A_21 = arith.constant 0 : i32
        %dma_start3A_22 = tpu.memref_slice %arg4[%add3A_13, %dma_start3A_21] : memref<2097152x16xf32, #tpu.memory_space<hbm>> -> memref<4096x16xf32, #tpu.memory_space<hbm>>
        tpu.enqueue_dma source(%arg6 : memref<4096x16xf32, #tpu.memory_space<vmem>>) target(%dma_start3A_22 : memref<4096x16xf32, #tpu.memory_space<hbm>>) target_semaphore(%run_scoped3A : memref<!tpu.dma_semaphore, #tpu.memory_space<semaphore_mem>>)
        %dma_wait3A_23 = arith.constant 0 : i32
        %dma_wait3A_24 = tpu.memref_slice %arg4[%add3A_13, %dma_wait3A_23] : memref<2097152x16xf32, #tpu.memory_space<hbm>> -> memref<4096x16xf32, #tpu.memory_space<hbm>>
        %dma_wait3A_25 = arith.constant 0 : i32
        %dma_wait3A_26 = tpu.memref_slice %arg4[%add3A_13, %dma_wait3A_25] : memref<2097152x16xf32, #tpu.memory_space<hbm>> -> memref<4096x16xf32, #tpu.memory_space<hbm>>
        tpu.wait_dma2 semaphore(%run_scoped3A : memref<!tpu.dma_semaphore, #tpu.memory_space<semaphore_mem>>) src(%arg6 : memref<4096x16xf32, #tpu.memory_space<vmem>>) dst(%dma_wait3A_26 : memref<4096x16xf32, #tpu.memory_space<hbm>>)
        tpu.yield
      }) : () -> ()
      %scan3A_18 = arith.constant 0 : i32
      scf.yield %scan3A_18 : i32
    }
    %scan3A_8 = arith.constant 16 : i32
    return
  }
}

#map = affine_map<(d0, d1) -> (0, 0)>
#map1 = affine_map<(d0, d1) -> (0)>
module attributes {stable_mosaic.version = 14 : i64} {
  func.func @_gather_body(%arg0: i32, %arg1: i32, %arg2: memref<262144x16xf32, #tpu.memory_space<hbm>>, %arg3: memref<327680xi32, #tpu.memory_space<hbm>>, %arg4: memref<327680x16xf32, #tpu.memory_space<hbm>>, %arg5: memref<2048xi32, #tpu.memory_space<vmem>>, %arg6: memref<2048x16xf32, #tpu.memory_space<vmem>>, %arg7: memref<!tpu.dma_semaphore, #tpu.memory_space<semaphore_mem>>) attributes {dimension_semantics = [#tpu.dimension_semantics<core_parallel>, #tpu.dimension_semantics<subcore_parallel>], iteration_bounds = array<i64: 2, 16>, scalar_prefetch = 0 : i64, scratch_operands = 3 : i64, tpu.core_type = #tpu.core_type<sc_vector_subcore>, window_params = [{transform_indices = #map}, {transform_indices = #map1}, {transform_indices = #map}]} {
    %mul3A = arith.constant 2 : i32
    %mul3A_0 = arith.muli %arg1, %mul3A : i32
    %add3A = arith.addi %mul3A_0, %arg0 : i32
    %mul3A_1 = arith.constant 10240 : i32
    %mul3A_2 = arith.muli %add3A, %mul3A_1 : i32
    %scan3A = arith.constant 0 : i32
    %scan3A_3 = arith.constant 0 : i32
    %scan3A_4 = arith.constant 5 : i32
    %scan3A_5 = arith.addi %scan3A_3, %scan3A_4 : i32
    %scan3A_6 = arith.constant 1 : i32
    %scan3A_7 = scf.for %scan3A_9 = %scan3A_3 to %scan3A_5 step %scan3A_6 iter_args(%scan3A_10 = %scan3A) -> (i32)  : i32 {
      %mul3A_11 = arith.constant 2048 : i32
      %mul3A_12 = arith.muli %scan3A_9, %mul3A_11 : i32
      %add3A_13 = arith.addi %mul3A_2, %mul3A_12 : i32
      "tpu.region"() ({
        %run_scoped3A = tpu.sem_alloc : memref<!tpu.dma_semaphore, #tpu.memory_space<semaphore_mem>>
        %dma_start3A_19 = tpu.memref_slice %arg3[%add3A_13] : memref<327680xi32, #tpu.memory_space<hbm>> -> memref<2048xi32, #tpu.memory_space<hbm>>
        %dma_start3A_20 = tpu.memref_slice %arg3[%add3A_13] : memref<327680xi32, #tpu.memory_space<hbm>> -> memref<2048xi32, #tpu.memory_space<hbm>>
        tpu.enqueue_dma source(%dma_start3A_20 : memref<2048xi32, #tpu.memory_space<hbm>>) target(%arg5 : memref<2048xi32, #tpu.memory_space<vmem>>) target_semaphore(%run_scoped3A : memref<!tpu.dma_semaphore, #tpu.memory_space<semaphore_mem>>)
        %dma_wait3A_21 = tpu.memref_slice %arg3[%add3A_13] : memref<327680xi32, #tpu.memory_space<hbm>> -> memref<2048xi32, #tpu.memory_space<hbm>>
        %dma_wait3A_22 = tpu.memref_slice %arg3[%add3A_13] : memref<327680xi32, #tpu.memory_space<hbm>> -> memref<2048xi32, #tpu.memory_space<hbm>>
        tpu.wait_dma2 semaphore(%run_scoped3A : memref<!tpu.dma_semaphore, #tpu.memory_space<semaphore_mem>>) src(%dma_wait3A_22 : memref<2048xi32, #tpu.memory_space<hbm>>) dst(%arg5 : memref<2048xi32, #tpu.memory_space<vmem>>)
        tpu.yield
      }) : () -> ()
      %dma_start3A = arith.constant 0 : i32
      %dma_start3A_14 = arith.constant 0 : i32
      %dma_start3A_15 = tpu.memref_slice %arg2[%dma_start3A, %dma_start3A_14] : memref<262144x16xf32, #tpu.memory_space<hbm>> -> memref<262144x16xf32, #tpu.memory_space<hbm>>
      tpu.enqueue_indirect_dma source(%dma_start3A_15 : memref<262144x16xf32, #tpu.memory_space<hbm>>) target(%arg6 : memref<2048x16xf32, #tpu.memory_space<vmem>>) offsets(%arg5 : memref<2048xi32, #tpu.memory_space<vmem>>) semaphore(%arg7 : memref<!tpu.dma_semaphore, #tpu.memory_space<semaphore_mem>>)
      %dma_wait3A = arith.constant 0 : i32
      %dma_wait3A_16 = arith.constant 0 : i32
      %dma_wait3A_17 = tpu.memref_slice %arg2[%dma_wait3A, %dma_wait3A_16] : memref<262144x16xf32, #tpu.memory_space<hbm>> -> memref<262144x16xf32, #tpu.memory_space<hbm>>
      tpu.wait_indirect_dma semaphore(%arg7 : memref<!tpu.dma_semaphore, #tpu.memory_space<semaphore_mem>>) src(%dma_wait3A_17 : memref<262144x16xf32, #tpu.memory_space<hbm>>) dst(%arg6 : memref<2048x16xf32, #tpu.memory_space<vmem>>)
      "tpu.region"() ({
        %run_scoped3A = tpu.sem_alloc : memref<!tpu.dma_semaphore, #tpu.memory_space<semaphore_mem>>
        %dma_start3A_19 = arith.constant 0 : i32
        %dma_start3A_20 = tpu.memref_slice %arg4[%add3A_13, %dma_start3A_19] : memref<327680x16xf32, #tpu.memory_space<hbm>> -> memref<2048x16xf32, #tpu.memory_space<hbm>>
        %dma_start3A_21 = arith.constant 0 : i32
        %dma_start3A_22 = tpu.memref_slice %arg4[%add3A_13, %dma_start3A_21] : memref<327680x16xf32, #tpu.memory_space<hbm>> -> memref<2048x16xf32, #tpu.memory_space<hbm>>
        tpu.enqueue_dma source(%arg6 : memref<2048x16xf32, #tpu.memory_space<vmem>>) target(%dma_start3A_22 : memref<2048x16xf32, #tpu.memory_space<hbm>>) target_semaphore(%run_scoped3A : memref<!tpu.dma_semaphore, #tpu.memory_space<semaphore_mem>>)
        %dma_wait3A_23 = arith.constant 0 : i32
        %dma_wait3A_24 = tpu.memref_slice %arg4[%add3A_13, %dma_wait3A_23] : memref<327680x16xf32, #tpu.memory_space<hbm>> -> memref<2048x16xf32, #tpu.memory_space<hbm>>
        %dma_wait3A_25 = arith.constant 0 : i32
        %dma_wait3A_26 = tpu.memref_slice %arg4[%add3A_13, %dma_wait3A_25] : memref<327680x16xf32, #tpu.memory_space<hbm>> -> memref<2048x16xf32, #tpu.memory_space<hbm>>
        tpu.wait_dma2 semaphore(%run_scoped3A : memref<!tpu.dma_semaphore, #tpu.memory_space<semaphore_mem>>) src(%arg6 : memref<2048x16xf32, #tpu.memory_space<vmem>>) dst(%dma_wait3A_26 : memref<2048x16xf32, #tpu.memory_space<hbm>>)
        tpu.yield
      }) : () -> ()
      %scan3A_18 = arith.constant 0 : i32
      scf.yield %scan3A_18 : i32
    }
    %scan3A_8 = arith.constant 5 : i32
    return
  }
}

module attributes {stable_mosaic.version = 14 : i64} {
  func.func @_dense_body(%arg0: i32, %arg1: memref<512x128xf32, #tpu.memory_space<vmem>>, %arg2: memref<512x12xf32, #tpu.memory_space<vmem>>, %arg3: memref<512x8xf32, #tpu.memory_space<vmem>>, %arg4: memref<512x1xf32, #tpu.memory_space<vmem>>, %arg5: memref<512x36xf32, #tpu.memory_space<vmem>>) attributes {dimension_semantics = [#tpu.dimension_semantics<arbitrary>], iteration_bounds = array<i64: 512>, scalar_prefetch = 0 : i64, scratch_operands = 0 : i64, tpu.core_type = #tpu.core_type<tc>, window_params = [{transform_indices = @transform_0, window_bounds = array<i64: 512, 128>}, {transform_indices = @transform_1, window_bounds = array<i64: 512, 12>}, {transform_indices = @transform_2, window_bounds = array<i64: 512, 8>}, {transform_indices = @transform_3, window_bounds = array<i64: 512, 1>}, {transform_indices = @transform_4, window_bounds = array<i64: 512, 36>}]} {
    %get3A = arith.constant 0 : index
    %get3A_0 = arith.constant 0 : index
    %get3A_1 = vector.load %arg1[%get3A, %get3A_0] : memref<512x128xf32, #tpu.memory_space<vmem>>, vector<512x128xf32>
    %transpose3A = tpu.transpose %get3A_1, [1, 0] : vector<512x128xf32> -> vector<128x512xf32>
    %slice3A = vector.extract_strided_slice %transpose3A {offsets = [3, 0], sizes = [1, 512], strides = [1, 1]} : vector<128x512xf32> to vector<1x512xf32>
    %squeeze3A = vector.shape_cast %slice3A : vector<1x512xf32> to vector<512xf32>
    %slice3A_2 = vector.extract_strided_slice %transpose3A {offsets = [19, 0], sizes = [1, 512], strides = [1, 1]} : vector<128x512xf32> to vector<1x512xf32>
    %squeeze3A_3 = vector.shape_cast %slice3A_2 : vector<1x512xf32> to vector<512xf32>
    %slice3A_4 = vector.extract_strided_slice %transpose3A {offsets = [35, 0], sizes = [1, 512], strides = [1, 1]} : vector<128x512xf32> to vector<1x512xf32>
    %squeeze3A_5 = vector.shape_cast %slice3A_4 : vector<1x512xf32> to vector<512xf32>
    %slice3A_6 = vector.extract_strided_slice %transpose3A {offsets = [51, 0], sizes = [1, 512], strides = [1, 1]} : vector<128x512xf32> to vector<1x512xf32>
    %squeeze3A_7 = vector.shape_cast %slice3A_6 : vector<1x512xf32> to vector<512xf32>
    %slice3A_8 = vector.extract_strided_slice %transpose3A {offsets = [67, 0], sizes = [1, 512], strides = [1, 1]} : vector<128x512xf32> to vector<1x512xf32>
    %squeeze3A_9 = vector.shape_cast %slice3A_8 : vector<1x512xf32> to vector<512xf32>
    %slice3A_10 = vector.extract_strided_slice %transpose3A {offsets = [83, 0], sizes = [1, 512], strides = [1, 1]} : vector<128x512xf32> to vector<1x512xf32>
    %squeeze3A_11 = vector.shape_cast %slice3A_10 : vector<1x512xf32> to vector<512xf32>
    %slice3A_12 = vector.extract_strided_slice %transpose3A {offsets = [99, 0], sizes = [1, 512], strides = [1, 1]} : vector<128x512xf32> to vector<1x512xf32>
    %squeeze3A_13 = vector.shape_cast %slice3A_12 : vector<1x512xf32> to vector<512xf32>
    %slice3A_14 = vector.extract_strided_slice %transpose3A {offsets = [115, 0], sizes = [1, 512], strides = [1, 1]} : vector<128x512xf32> to vector<1x512xf32>
    %squeeze3A_15 = vector.shape_cast %slice3A_14 : vector<1x512xf32> to vector<512xf32>
    %slice3A_16 = vector.extract_strided_slice %transpose3A {offsets = [0, 0], sizes = [1, 512], strides = [1, 1]} : vector<128x512xf32> to vector<1x512xf32>
    %squeeze3A_17 = vector.shape_cast %slice3A_16 : vector<1x512xf32> to vector<512xf32>
    %slice3A_18 = vector.extract_strided_slice %transpose3A {offsets = [16, 0], sizes = [1, 512], strides = [1, 1]} : vector<128x512xf32> to vector<1x512xf32>
    %squeeze3A_19 = vector.shape_cast %slice3A_18 : vector<1x512xf32> to vector<512xf32>
    %slice3A_20 = vector.extract_strided_slice %transpose3A {offsets = [32, 0], sizes = [1, 512], strides = [1, 1]} : vector<128x512xf32> to vector<1x512xf32>
    %squeeze3A_21 = vector.shape_cast %slice3A_20 : vector<1x512xf32> to vector<512xf32>
    %slice3A_22 = vector.extract_strided_slice %transpose3A {offsets = [48, 0], sizes = [1, 512], strides = [1, 1]} : vector<128x512xf32> to vector<1x512xf32>
    %squeeze3A_23 = vector.shape_cast %slice3A_22 : vector<1x512xf32> to vector<512xf32>
    %slice3A_24 = vector.extract_strided_slice %transpose3A {offsets = [64, 0], sizes = [1, 512], strides = [1, 1]} : vector<128x512xf32> to vector<1x512xf32>
    %squeeze3A_25 = vector.shape_cast %slice3A_24 : vector<1x512xf32> to vector<512xf32>
    %slice3A_26 = vector.extract_strided_slice %transpose3A {offsets = [80, 0], sizes = [1, 512], strides = [1, 1]} : vector<128x512xf32> to vector<1x512xf32>
    %squeeze3A_27 = vector.shape_cast %slice3A_26 : vector<1x512xf32> to vector<512xf32>
    %slice3A_28 = vector.extract_strided_slice %transpose3A {offsets = [96, 0], sizes = [1, 512], strides = [1, 1]} : vector<128x512xf32> to vector<1x512xf32>
    %squeeze3A_29 = vector.shape_cast %slice3A_28 : vector<1x512xf32> to vector<512xf32>
    %slice3A_30 = vector.extract_strided_slice %transpose3A {offsets = [112, 0], sizes = [1, 512], strides = [1, 1]} : vector<128x512xf32> to vector<1x512xf32>
    %squeeze3A_31 = vector.shape_cast %slice3A_30 : vector<1x512xf32> to vector<512xf32>
    %slice3A_32 = vector.extract_strided_slice %transpose3A {offsets = [1, 0], sizes = [1, 512], strides = [1, 1]} : vector<128x512xf32> to vector<1x512xf32>
    %squeeze3A_33 = vector.shape_cast %slice3A_32 : vector<1x512xf32> to vector<512xf32>
    %slice3A_34 = vector.extract_strided_slice %transpose3A {offsets = [17, 0], sizes = [1, 512], strides = [1, 1]} : vector<128x512xf32> to vector<1x512xf32>
    %squeeze3A_35 = vector.shape_cast %slice3A_34 : vector<1x512xf32> to vector<512xf32>
    %slice3A_36 = vector.extract_strided_slice %transpose3A {offsets = [33, 0], sizes = [1, 512], strides = [1, 1]} : vector<128x512xf32> to vector<1x512xf32>
    %squeeze3A_37 = vector.shape_cast %slice3A_36 : vector<1x512xf32> to vector<512xf32>
    %slice3A_38 = vector.extract_strided_slice %transpose3A {offsets = [49, 0], sizes = [1, 512], strides = [1, 1]} : vector<128x512xf32> to vector<1x512xf32>
    %squeeze3A_39 = vector.shape_cast %slice3A_38 : vector<1x512xf32> to vector<512xf32>
    %slice3A_40 = vector.extract_strided_slice %transpose3A {offsets = [65, 0], sizes = [1, 512], strides = [1, 1]} : vector<128x512xf32> to vector<1x512xf32>
    %squeeze3A_41 = vector.shape_cast %slice3A_40 : vector<1x512xf32> to vector<512xf32>
    %slice3A_42 = vector.extract_strided_slice %transpose3A {offsets = [81, 0], sizes = [1, 512], strides = [1, 1]} : vector<128x512xf32> to vector<1x512xf32>
    %squeeze3A_43 = vector.shape_cast %slice3A_42 : vector<1x512xf32> to vector<512xf32>
    %slice3A_44 = vector.extract_strided_slice %transpose3A {offsets = [97, 0], sizes = [1, 512], strides = [1, 1]} : vector<128x512xf32> to vector<1x512xf32>
    %squeeze3A_45 = vector.shape_cast %slice3A_44 : vector<1x512xf32> to vector<512xf32>
    %slice3A_46 = vector.extract_strided_slice %transpose3A {offsets = [113, 0], sizes = [1, 512], strides = [1, 1]} : vector<128x512xf32> to vector<1x512xf32>
    %squeeze3A_47 = vector.shape_cast %slice3A_46 : vector<1x512xf32> to vector<512xf32>
    %slice3A_48 = vector.extract_strided_slice %transpose3A {offsets = [2, 0], sizes = [1, 512], strides = [1, 1]} : vector<128x512xf32> to vector<1x512xf32>
    %squeeze3A_49 = vector.shape_cast %slice3A_48 : vector<1x512xf32> to vector<512xf32>
    %slice3A_50 = vector.extract_strided_slice %transpose3A {offsets = [18, 0], sizes = [1, 512], strides = [1, 1]} : vector<128x512xf32> to vector<1x512xf32>
    %squeeze3A_51 = vector.shape_cast %slice3A_50 : vector<1x512xf32> to vector<512xf32>
    %slice3A_52 = vector.extract_strided_slice %transpose3A {offsets = [34, 0], sizes = [1, 512], strides = [1, 1]} : vector<128x512xf32> to vector<1x512xf32>
    %squeeze3A_53 = vector.shape_cast %slice3A_52 : vector<1x512xf32> to vector<512xf32>
    %slice3A_54 = vector.extract_strided_slice %transpose3A {offsets = [50, 0], sizes = [1, 512], strides = [1, 1]} : vector<128x512xf32> to vector<1x512xf32>
    %squeeze3A_55 = vector.shape_cast %slice3A_54 : vector<1x512xf32> to vector<512xf32>
    %slice3A_56 = vector.extract_strided_slice %transpose3A {offsets = [66, 0], sizes = [1, 512], strides = [1, 1]} : vector<128x512xf32> to vector<1x512xf32>
    %squeeze3A_57 = vector.shape_cast %slice3A_56 : vector<1x512xf32> to vector<512xf32>
    %slice3A_58 = vector.extract_strided_slice %transpose3A {offsets = [82, 0], sizes = [1, 512], strides = [1, 1]} : vector<128x512xf32> to vector<1x512xf32>
    %squeeze3A_59 = vector.shape_cast %slice3A_58 : vector<1x512xf32> to vector<512xf32>
    %slice3A_60 = vector.extract_strided_slice %transpose3A {offsets = [98, 0], sizes = [1, 512], strides = [1, 1]} : vector<128x512xf32> to vector<1x512xf32>
    %squeeze3A_61 = vector.shape_cast %slice3A_60 : vector<1x512xf32> to vector<512xf32>
    %slice3A_62 = vector.extract_strided_slice %transpose3A {offsets = [114, 0], sizes = [1, 512], strides = [1, 1]} : vector<128x512xf32> to vector<1x512xf32>
    %squeeze3A_63 = vector.shape_cast %slice3A_62 : vector<1x512xf32> to vector<512xf32>
    %lt3A = arith.constant 0.000000e+00 : f32
    %lt3A_64 = vector.broadcast %lt3A : f32 to vector<512xf32>
    %lt3A_65 = arith.cmpf olt, %squeeze3A, %lt3A_64 : vector<512xf32>
    %convert_element_type3A = arith.extui %lt3A_65 : vector<512xi1> to vector<512xi32>
    %lt3A_66 = arith.constant 0.000000e+00 : f32
    %lt3A_67 = vector.broadcast %lt3A_66 : f32 to vector<512xf32>
    %lt3A_68 = arith.cmpf olt, %squeeze3A_3, %lt3A_67 : vector<512xf32>
    %convert_element_type3A_69 = arith.extui %lt3A_68 : vector<512xi1> to vector<512xi32>
    %add3A = arith.addi %convert_element_type3A, %convert_element_type3A_69 : vector<512xi32>
    %lt3A_70 = arith.constant 0.000000e+00 : f32
    %lt3A_71 = vector.broadcast %lt3A_70 : f32 to vector<512xf32>
    %lt3A_72 = arith.cmpf olt, %squeeze3A_5, %lt3A_71 : vector<512xf32>
    %convert_element_type3A_73 = arith.extui %lt3A_72 : vector<512xi1> to vector<512xi32>
    %add3A_74 = arith.addi %add3A, %convert_element_type3A_73 : vector<512xi32>
    %lt3A_75 = arith.constant 0.000000e+00 : f32
    %lt3A_76 = vector.broadcast %lt3A_75 : f32 to vector<512xf32>
    %lt3A_77 = arith.cmpf olt, %squeeze3A_7, %lt3A_76 : vector<512xf32>
    %convert_element_type3A_78 = arith.extui %lt3A_77 : vector<512xi1> to vector<512xi32>
    %add3A_79 = arith.addi %add3A_74, %convert_element_type3A_78 : vector<512xi32>
    %lt3A_80 = arith.constant 0.000000e+00 : f32
    %lt3A_81 = vector.broadcast %lt3A_80 : f32 to vector<512xf32>
    %lt3A_82 = arith.cmpf olt, %squeeze3A_9, %lt3A_81 : vector<512xf32>
    %convert_element_type3A_83 = arith.extui %lt3A_82 : vector<512xi1> to vector<512xi32>
    %add3A_84 = arith.addi %add3A_79, %convert_element_type3A_83 : vector<512xi32>
    %lt3A_85 = arith.constant 0.000000e+00 : f32
    %lt3A_86 = vector.broadcast %lt3A_85 : f32 to vector<512xf32>
    %lt3A_87 = arith.cmpf olt, %squeeze3A_11, %lt3A_86 : vector<512xf32>
    %convert_element_type3A_88 = arith.extui %lt3A_87 : vector<512xi1> to vector<512xi32>
    %add3A_89 = arith.addi %add3A_84, %convert_element_type3A_88 : vector<512xi32>
    %lt3A_90 = arith.constant 0.000000e+00 : f32
    %lt3A_91 = vector.broadcast %lt3A_90 : f32 to vector<512xf32>
    %lt3A_92 = arith.cmpf olt, %squeeze3A_13, %lt3A_91 : vector<512xf32>
    %convert_element_type3A_93 = arith.extui %lt3A_92 : vector<512xi1> to vector<512xi32>
    %add3A_94 = arith.addi %add3A_89, %convert_element_type3A_93 : vector<512xi32>
    %lt3A_95 = arith.constant 0.000000e+00 : f32
    %lt3A_96 = vector.broadcast %lt3A_95 : f32 to vector<512xf32>
    %lt3A_97 = arith.cmpf olt, %squeeze3A_15, %lt3A_96 : vector<512xf32>
    %convert_element_type3A_98 = arith.extui %lt3A_97 : vector<512xi1> to vector<512xi32>
    %add3A_99 = arith.addi %add3A_94, %convert_element_type3A_98 : vector<512xi32>
    %gt3A = arith.constant 0 : i32
    %gt3A_100 = vector.broadcast %gt3A : i32 to vector<512xi32>
    %gt3A_101 = arith.cmpi sgt, %add3A_99, %gt3A_100 : vector<512xi32>
    %lt3A_102 = arith.constant 8 : i32
    %lt3A_103 = vector.broadcast %lt3A_102 : i32 to vector<512xi32>
    %lt3A_104 = arith.cmpi slt, %add3A_99, %lt3A_103 : vector<512xi32>
    %and3A = arith.andi %gt3A_101, %lt3A_104 : vector<512xi1>
    %get3A_105 = arith.constant 0 : index
    %get3A_106 = arith.constant 0 : index
    %get3A_107 = vector.load %arg3[%get3A_105, %get3A_106] : memref<512x8xf32, #tpu.memory_space<vmem>>, vector<512x8xf32>
    %transpose3A_108 = tpu.transpose %get3A_107, [1, 0] : vector<512x8xf32> -> vector<8x512xf32>
    %get3A_109 = arith.constant 0 : index
    %get3A_110 = arith.constant 0 : index
    %get3A_111 = vector.load %arg2[%get3A_109, %get3A_110] : memref<512x12xf32, #tpu.memory_space<vmem>>, vector<512x12xf32>
    %transpose3A_112 = tpu.transpose %get3A_111, [1, 0] : vector<512x12xf32> -> vector<12x512xf32>
    %slice3A_113 = vector.extract_strided_slice %transpose3A_108 {offsets = [0, 0], sizes = [1, 512], strides = [1, 1]} : vector<8x512xf32> to vector<1x512xf32>
    %squeeze3A_114 = vector.shape_cast %slice3A_113 : vector<1x512xf32> to vector<512xf32>
    %tanh3A = math.tanh %squeeze3A_114 : vector<512xf32>
    %mul3A = arith.constant 9.900000e-01 : f32
    %mul3A_115 = vector.broadcast %mul3A : f32 to vector<512xf32>
    %mul3A_116 = arith.mulf %tanh3A, %mul3A_115 : vector<512xf32>
    %add3A_117 = arith.constant 1.000000e+00 : f32
    %add3A_118 = vector.broadcast %add3A_117 : f32 to vector<512xf32>
    %add3A_119 = arith.addf %mul3A_116, %add3A_118 : vector<512xf32>
    %slice3A_120 = vector.extract_strided_slice %transpose3A_108 {offsets = [1, 0], sizes = [1, 512], strides = [1, 1]} : vector<8x512xf32> to vector<1x512xf32>
    %squeeze3A_121 = vector.shape_cast %slice3A_120 : vector<1x512xf32> to vector<512xf32>
    %tanh3A_122 = math.tanh %squeeze3A_121 : vector<512xf32>
    %mul3A_123 = arith.constant 9.900000e-01 : f32
    %mul3A_124 = vector.broadcast %mul3A_123 : f32 to vector<512xf32>
    %mul3A_125 = arith.mulf %tanh3A_122, %mul3A_124 : vector<512xf32>
    %add3A_126 = arith.constant 1.000000e+00 : f32
    %add3A_127 = vector.broadcast %add3A_126 : f32 to vector<512xf32>
    %add3A_128 = arith.addf %mul3A_125, %add3A_127 : vector<512xf32>
    %slice3A_129 = vector.extract_strided_slice %transpose3A_108 {offsets = [2, 0], sizes = [1, 512], strides = [1, 1]} : vector<8x512xf32> to vector<1x512xf32>
    %squeeze3A_130 = vector.shape_cast %slice3A_129 : vector<1x512xf32> to vector<512xf32>
    %tanh3A_131 = math.tanh %squeeze3A_130 : vector<512xf32>
    %mul3A_132 = arith.constant 9.900000e-01 : f32
    %mul3A_133 = vector.broadcast %mul3A_132 : f32 to vector<512xf32>
    %mul3A_134 = arith.mulf %tanh3A_131, %mul3A_133 : vector<512xf32>
    %add3A_135 = arith.constant 1.000000e+00 : f32
    %add3A_136 = vector.broadcast %add3A_135 : f32 to vector<512xf32>
    %add3A_137 = arith.addf %mul3A_134, %add3A_136 : vector<512xf32>
    %slice3A_138 = vector.extract_strided_slice %transpose3A_108 {offsets = [3, 0], sizes = [1, 512], strides = [1, 1]} : vector<8x512xf32> to vector<1x512xf32>
    %squeeze3A_139 = vector.shape_cast %slice3A_138 : vector<1x512xf32> to vector<512xf32>
    %tanh3A_140 = math.tanh %squeeze3A_139 : vector<512xf32>
    %mul3A_141 = arith.constant 9.900000e-01 : f32
    %mul3A_142 = vector.broadcast %mul3A_141 : f32 to vector<512xf32>
    %mul3A_143 = arith.mulf %tanh3A_140, %mul3A_142 : vector<512xf32>
    %add3A_144 = arith.constant 1.000000e+00 : f32
    %add3A_145 = vector.broadcast %add3A_144 : f32 to vector<512xf32>
    %add3A_146 = arith.addf %mul3A_143, %add3A_145 : vector<512xf32>
    %slice3A_147 = vector.extract_strided_slice %transpose3A_108 {offsets = [4, 0], sizes = [1, 512], strides = [1, 1]} : vector<8x512xf32> to vector<1x512xf32>
    %squeeze3A_148 = vector.shape_cast %slice3A_147 : vector<1x512xf32> to vector<512xf32>
    %tanh3A_149 = math.tanh %squeeze3A_148 : vector<512xf32>
    %mul3A_150 = arith.constant 9.900000e-01 : f32
    %mul3A_151 = vector.broadcast %mul3A_150 : f32 to vector<512xf32>
    %mul3A_152 = arith.mulf %tanh3A_149, %mul3A_151 : vector<512xf32>
    %add3A_153 = arith.constant 1.000000e+00 : f32
    %add3A_154 = vector.broadcast %add3A_153 : f32 to vector<512xf32>
    %add3A_155 = arith.addf %mul3A_152, %add3A_154 : vector<512xf32>
    %slice3A_156 = vector.extract_strided_slice %transpose3A_108 {offsets = [5, 0], sizes = [1, 512], strides = [1, 1]} : vector<8x512xf32> to vector<1x512xf32>
    %squeeze3A_157 = vector.shape_cast %slice3A_156 : vector<1x512xf32> to vector<512xf32>
    %tanh3A_158 = math.tanh %squeeze3A_157 : vector<512xf32>
    %mul3A_159 = arith.constant 9.900000e-01 : f32
    %mul3A_160 = vector.broadcast %mul3A_159 : f32 to vector<512xf32>
    %mul3A_161 = arith.mulf %tanh3A_158, %mul3A_160 : vector<512xf32>
    %add3A_162 = arith.constant 1.000000e+00 : f32
    %add3A_163 = vector.broadcast %add3A_162 : f32 to vector<512xf32>
    %add3A_164 = arith.addf %mul3A_161, %add3A_163 : vector<512xf32>
    %slice3A_165 = vector.extract_strided_slice %transpose3A_108 {offsets = [6, 0], sizes = [1, 512], strides = [1, 1]} : vector<8x512xf32> to vector<1x512xf32>
    %squeeze3A_166 = vector.shape_cast %slice3A_165 : vector<1x512xf32> to vector<512xf32>
    %tanh3A_167 = math.tanh %squeeze3A_166 : vector<512xf32>
    %mul3A_168 = arith.constant 9.900000e-01 : f32
    %mul3A_169 = vector.broadcast %mul3A_168 : f32 to vector<512xf32>
    %mul3A_170 = arith.mulf %tanh3A_167, %mul3A_169 : vector<512xf32>
    %add3A_171 = arith.constant 1.000000e+00 : f32
    %add3A_172 = vector.broadcast %add3A_171 : f32 to vector<512xf32>
    %add3A_173 = arith.addf %mul3A_170, %add3A_172 : vector<512xf32>
    %slice3A_174 = vector.extract_strided_slice %transpose3A_108 {offsets = [7, 0], sizes = [1, 512], strides = [1, 1]} : vector<8x512xf32> to vector<1x512xf32>
    %squeeze3A_175 = vector.shape_cast %slice3A_174 : vector<1x512xf32> to vector<512xf32>
    %tanh3A_176 = math.tanh %squeeze3A_175 : vector<512xf32>
    %mul3A_177 = arith.constant 9.900000e-01 : f32
    %mul3A_178 = vector.broadcast %mul3A_177 : f32 to vector<512xf32>
    %mul3A_179 = arith.mulf %tanh3A_176, %mul3A_178 : vector<512xf32>
    %add3A_180 = arith.constant 1.000000e+00 : f32
    %add3A_181 = vector.broadcast %add3A_180 : f32 to vector<512xf32>
    %add3A_182 = arith.addf %mul3A_179, %add3A_181 : vector<512xf32>
    %get3A_183 = arith.constant 0 : index
    %get3A_184 = arith.constant 0 : index
    %get3A_185 = vector.load %arg4[%get3A_183, %get3A_184] : memref<512x1xf32, #tpu.memory_space<vmem>>, vector<512x1xf32>
    %transpose3A_186 = tpu.transpose %get3A_185, [1, 0] : vector<512x1xf32> -> vector<1x512xf32>
    %squeeze3A_187 = vector.shape_cast %transpose3A_186 : vector<1x512xf32> to vector<512xf32>
    %logistic3A = arith.negf %squeeze3A_187 : vector<512xf32>
    %logistic3A_188 = math.exp %logistic3A : vector<512xf32>
    %logistic3A_189 = arith.constant 1.000000e+00 : f32
    %logistic3A_190 = vector.broadcast %logistic3A_189 : f32 to vector<512xf32>
    %logistic3A_191 = arith.addf %logistic3A_190, %logistic3A_188 : vector<512xf32>
    %logistic3A_192 = arith.divf %logistic3A_190, %logistic3A_191 : vector<512xf32>
    %mul3A_193 = arith.constant 9.900000e-01 : f32
    %mul3A_194 = vector.broadcast %mul3A_193 : f32 to vector<512xf32>
    %mul3A_195 = arith.mulf %logistic3A_192, %mul3A_194 : vector<512xf32>
    %add3A_196 = arith.constant 5.000000e-03 : f32
    %add3A_197 = vector.broadcast %add3A_196 : f32 to vector<512xf32>
    %add3A_198 = arith.addf %mul3A_195, %add3A_197 : vector<512xf32>
    %abs3A = math.absf %squeeze3A : vector<512xf32>
    %mul3A_199 = arith.mulf %add3A_119, %abs3A : vector<512xf32>
    %abs3A_200 = math.absf %squeeze3A_3 : vector<512xf32>
    %mul3A_201 = arith.mulf %add3A_128, %abs3A_200 : vector<512xf32>
    %add3A_202 = arith.addf %mul3A_199, %mul3A_201 : vector<512xf32>
    %add3A_203 = arith.constant 9.99999993E-9 : f32
    %add3A_204 = vector.broadcast %add3A_203 : f32 to vector<512xf32>
    %add3A_205 = arith.addf %add3A_202, %add3A_204 : vector<512xf32>
    %div3A = arith.divf %mul3A_199, %add3A_205 : vector<512xf32>
    %mul3A_206 = arith.mulf %squeeze3A, %squeeze3A_3 : vector<512xf32>
    %lt3A_207 = arith.constant 0.000000e+00 : f32
    %lt3A_208 = vector.broadcast %lt3A_207 : f32 to vector<512xf32>
    %lt3A_209 = arith.cmpf olt, %mul3A_206, %lt3A_208 : vector<512xf32>
    %and3A_210 = arith.andi %lt3A_209, %and3A : vector<512xi1>
    %slice3A_211 = vector.extract_strided_slice %transpose3A_112 {offsets = [0, 0], sizes = [1, 512], strides = [1, 1]} : vector<12x512xf32> to vector<1x512xf32>
    %squeeze3A_212 = vector.shape_cast %slice3A_211 : vector<1x512xf32> to vector<512xf32>
    %tanh3A_213 = math.tanh %squeeze3A_212 : vector<512xf32>
    %mul3A_214 = arith.constant 9.900000e-01 : f32
    %mul3A_215 = vector.broadcast %mul3A_214 : f32 to vector<512xf32>
    %mul3A_216 = arith.mulf %tanh3A_213, %mul3A_215 : vector<512xf32>
    %add3A_217 = arith.constant 1.000000e+00 : f32
    %add3A_218 = vector.broadcast %add3A_217 : f32 to vector<512xf32>
    %add3A_219 = arith.addf %mul3A_216, %add3A_218 : vector<512xf32>
    %mul3A_220 = arith.mulf %add3A_219, %add3A_198 : vector<512xf32>
    %jit3A = arith.constant 0.000000e+00 : f32
    %broadcast_in_dim3A = vector.broadcast %jit3A : f32 to vector<512xf32>
    %select_n3A = arith.select %and3A_210, %mul3A_220, %broadcast_in_dim3A : vector<512xi1>, vector<512xf32>
    %sub3A = arith.constant 1.000000e+00 : f32
    %sub3A_221 = vector.broadcast %sub3A : f32 to vector<512xf32>
    %sub3A_222 = arith.subf %sub3A_221, %div3A : vector<512xf32>
    %mul3A_223 = arith.mulf %squeeze3A_17, %sub3A_222 : vector<512xf32>
    %mul3A_224 = arith.mulf %squeeze3A_19, %div3A : vector<512xf32>
    %add3A_225 = arith.addf %mul3A_223, %mul3A_224 : vector<512xf32>
    %mul3A_226 = arith.mulf %add3A_225, %select_n3A : vector<512xf32>
    %mul3A_227 = arith.mulf %squeeze3A_33, %sub3A_222 : vector<512xf32>
    %mul3A_228 = arith.mulf %squeeze3A_35, %div3A : vector<512xf32>
    %add3A_229 = arith.addf %mul3A_227, %mul3A_228 : vector<512xf32>
    %mul3A_230 = arith.mulf %add3A_229, %select_n3A : vector<512xf32>
    %mul3A_231 = arith.mulf %squeeze3A_49, %sub3A_222 : vector<512xf32>
    %mul3A_232 = arith.mulf %squeeze3A_51, %div3A : vector<512xf32>
    %add3A_233 = arith.addf %mul3A_231, %mul3A_232 : vector<512xf32>
    %mul3A_234 = arith.mulf %add3A_233, %select_n3A : vector<512xf32>
    %abs3A_235 = math.absf %squeeze3A_3 : vector<512xf32>
    %mul3A_236 = arith.mulf %add3A_128, %abs3A_235 : vector<512xf32>
    %abs3A_237 = math.absf %squeeze3A_11 : vector<512xf32>
    %mul3A_238 = arith.mulf %add3A_164, %abs3A_237 : vector<512xf32>
    %add3A_239 = arith.addf %mul3A_236, %mul3A_238 : vector<512xf32>
    %add3A_240 = arith.constant 9.99999993E-9 : f32
    %add3A_241 = vector.broadcast %add3A_240 : f32 to vector<512xf32>
    %add3A_242 = arith.addf %add3A_239, %add3A_241 : vector<512xf32>
    %div3A_243 = arith.divf %mul3A_236, %add3A_242 : vector<512xf32>
    %mul3A_244 = arith.mulf %squeeze3A_3, %squeeze3A_11 : vector<512xf32>
    %lt3A_245 = arith.constant 0.000000e+00 : f32
    %lt3A_246 = vector.broadcast %lt3A_245 : f32 to vector<512xf32>
    %lt3A_247 = arith.cmpf olt, %mul3A_244, %lt3A_246 : vector<512xf32>
    %and3A_248 = arith.andi %lt3A_247, %and3A : vector<512xi1>
    %slice3A_249 = vector.extract_strided_slice %transpose3A_112 {offsets = [1, 0], sizes = [1, 512], strides = [1, 1]} : vector<12x512xf32> to vector<1x512xf32>
    %squeeze3A_250 = vector.shape_cast %slice3A_249 : vector<1x512xf32> to vector<512xf32>
    %tanh3A_251 = math.tanh %squeeze3A_250 : vector<512xf32>
    %mul3A_252 = arith.constant 9.900000e-01 : f32
    %mul3A_253 = vector.broadcast %mul3A_252 : f32 to vector<512xf32>
    %mul3A_254 = arith.mulf %tanh3A_251, %mul3A_253 : vector<512xf32>
    %add3A_255 = arith.constant 1.000000e+00 : f32
    %add3A_256 = vector.broadcast %add3A_255 : f32 to vector<512xf32>
    %add3A_257 = arith.addf %mul3A_254, %add3A_256 : vector<512xf32>
    %mul3A_258 = arith.mulf %add3A_257, %add3A_198 : vector<512xf32>
    %jit3A_259 = arith.constant 0.000000e+00 : f32
    %broadcast_in_dim3A_260 = vector.broadcast %jit3A_259 : f32 to vector<512xf32>
    %select_n3A_261 = arith.select %and3A_248, %mul3A_258, %broadcast_in_dim3A_260 : vector<512xi1>, vector<512xf32>
    %sub3A_262 = arith.constant 1.000000e+00 : f32
    %sub3A_263 = vector.broadcast %sub3A_262 : f32 to vector<512xf32>
    %sub3A_264 = arith.subf %sub3A_263, %div3A_243 : vector<512xf32>
    %mul3A_265 = arith.mulf %squeeze3A_19, %sub3A_264 : vector<512xf32>
    %mul3A_266 = arith.mulf %squeeze3A_27, %div3A_243 : vector<512xf32>
    %add3A_267 = arith.addf %mul3A_265, %mul3A_266 : vector<512xf32>
    %mul3A_268 = arith.mulf %add3A_267, %select_n3A_261 : vector<512xf32>
    %mul3A_269 = arith.mulf %squeeze3A_35, %sub3A_264 : vector<512xf32>
    %mul3A_270 = arith.mulf %squeeze3A_43, %div3A_243 : vector<512xf32>
    %add3A_271 = arith.addf %mul3A_269, %mul3A_270 : vector<512xf32>
    %mul3A_272 = arith.mulf %add3A_271, %select_n3A_261 : vector<512xf32>
    %mul3A_273 = arith.mulf %squeeze3A_51, %sub3A_264 : vector<512xf32>
    %mul3A_274 = arith.mulf %squeeze3A_59, %div3A_243 : vector<512xf32>
    %add3A_275 = arith.addf %mul3A_273, %mul3A_274 : vector<512xf32>
    %mul3A_276 = arith.mulf %add3A_275, %select_n3A_261 : vector<512xf32>
    %abs3A_277 = math.absf %squeeze3A_9 : vector<512xf32>
    %mul3A_278 = arith.mulf %add3A_155, %abs3A_277 : vector<512xf32>
    %abs3A_279 = math.absf %squeeze3A_11 : vector<512xf32>
    %mul3A_280 = arith.mulf %add3A_164, %abs3A_279 : vector<512xf32>
    %add3A_281 = arith.addf %mul3A_278, %mul3A_280 : vector<512xf32>
    %add3A_282 = arith.constant 9.99999993E-9 : f32
    %add3A_283 = vector.broadcast %add3A_282 : f32 to vector<512xf32>
    %add3A_284 = arith.addf %add3A_281, %add3A_283 : vector<512xf32>
    %div3A_285 = arith.divf %mul3A_278, %add3A_284 : vector<512xf32>
    %mul3A_286 = arith.mulf %squeeze3A_9, %squeeze3A_11 : vector<512xf32>
    %lt3A_287 = arith.constant 0.000000e+00 : f32
    %lt3A_288 = vector.broadcast %lt3A_287 : f32 to vector<512xf32>
    %lt3A_289 = arith.cmpf olt, %mul3A_286, %lt3A_288 : vector<512xf32>
    %and3A_290 = arith.andi %lt3A_289, %and3A : vector<512xi1>
    %slice3A_291 = vector.extract_strided_slice %transpose3A_112 {offsets = [2, 0], sizes = [1, 512], strides = [1, 1]} : vector<12x512xf32> to vector<1x512xf32>
    %squeeze3A_292 = vector.shape_cast %slice3A_291 : vector<1x512xf32> to vector<512xf32>
    %tanh3A_293 = math.tanh %squeeze3A_292 : vector<512xf32>
    %mul3A_294 = arith.constant 9.900000e-01 : f32
    %mul3A_295 = vector.broadcast %mul3A_294 : f32 to vector<512xf32>
    %mul3A_296 = arith.mulf %tanh3A_293, %mul3A_295 : vector<512xf32>
    %add3A_297 = arith.constant 1.000000e+00 : f32
    %add3A_298 = vector.broadcast %add3A_297 : f32 to vector<512xf32>
    %add3A_299 = arith.addf %mul3A_296, %add3A_298 : vector<512xf32>
    %mul3A_300 = arith.mulf %add3A_299, %add3A_198 : vector<512xf32>
    %jit3A_301 = arith.constant 0.000000e+00 : f32
    %broadcast_in_dim3A_302 = vector.broadcast %jit3A_301 : f32 to vector<512xf32>
    %select_n3A_303 = arith.select %and3A_290, %mul3A_300, %broadcast_in_dim3A_302 : vector<512xi1>, vector<512xf32>
    %sub3A_304 = arith.constant 1.000000e+00 : f32
    %sub3A_305 = vector.broadcast %sub3A_304 : f32 to vector<512xf32>
    %sub3A_306 = arith.subf %sub3A_305, %div3A_285 : vector<512xf32>
    %mul3A_307 = arith.mulf %squeeze3A_25, %sub3A_306 : vector<512xf32>
    %mul3A_308 = arith.mulf %squeeze3A_27, %div3A_285 : vector<512xf32>
    %add3A_309 = arith.addf %mul3A_307, %mul3A_308 : vector<512xf32>
    %mul3A_310 = arith.mulf %add3A_309, %select_n3A_303 : vector<512xf32>
    %mul3A_311 = arith.mulf %squeeze3A_41, %sub3A_306 : vector<512xf32>
    %mul3A_312 = arith.mulf %squeeze3A_43, %div3A_285 : vector<512xf32>
    %add3A_313 = arith.addf %mul3A_311, %mul3A_312 : vector<512xf32>
    %mul3A_314 = arith.mulf %add3A_313, %select_n3A_303 : vector<512xf32>
    %mul3A_315 = arith.mulf %squeeze3A_57, %sub3A_306 : vector<512xf32>
    %mul3A_316 = arith.mulf %squeeze3A_59, %div3A_285 : vector<512xf32>
    %add3A_317 = arith.addf %mul3A_315, %mul3A_316 : vector<512xf32>
    %mul3A_318 = arith.mulf %add3A_317, %select_n3A_303 : vector<512xf32>
    %abs3A_319 = math.absf %squeeze3A : vector<512xf32>
    %mul3A_320 = arith.mulf %add3A_119, %abs3A_319 : vector<512xf32>
    %abs3A_321 = math.absf %squeeze3A_9 : vector<512xf32>
    %mul3A_322 = arith.mulf %add3A_155, %abs3A_321 : vector<512xf32>
    %add3A_323 = arith.addf %mul3A_320, %mul3A_322 : vector<512xf32>
    %add3A_324 = arith.constant 9.99999993E-9 : f32
    %add3A_325 = vector.broadcast %add3A_324 : f32 to vector<512xf32>
    %add3A_326 = arith.addf %add3A_323, %add3A_325 : vector<512xf32>
    %div3A_327 = arith.divf %mul3A_320, %add3A_326 : vector<512xf32>
    %mul3A_328 = arith.mulf %squeeze3A, %squeeze3A_9 : vector<512xf32>
    %lt3A_329 = arith.constant 0.000000e+00 : f32
    %lt3A_330 = vector.broadcast %lt3A_329 : f32 to vector<512xf32>
    %lt3A_331 = arith.cmpf olt, %mul3A_328, %lt3A_330 : vector<512xf32>
    %and3A_332 = arith.andi %lt3A_331, %and3A : vector<512xi1>
    %slice3A_333 = vector.extract_strided_slice %transpose3A_112 {offsets = [3, 0], sizes = [1, 512], strides = [1, 1]} : vector<12x512xf32> to vector<1x512xf32>
    %squeeze3A_334 = vector.shape_cast %slice3A_333 : vector<1x512xf32> to vector<512xf32>
    %tanh3A_335 = math.tanh %squeeze3A_334 : vector<512xf32>
    %mul3A_336 = arith.constant 9.900000e-01 : f32
    %mul3A_337 = vector.broadcast %mul3A_336 : f32 to vector<512xf32>
    %mul3A_338 = arith.mulf %tanh3A_335, %mul3A_337 : vector<512xf32>
    %add3A_339 = arith.constant 1.000000e+00 : f32
    %add3A_340 = vector.broadcast %add3A_339 : f32 to vector<512xf32>
    %add3A_341 = arith.addf %mul3A_338, %add3A_340 : vector<512xf32>
    %mul3A_342 = arith.mulf %add3A_341, %add3A_198 : vector<512xf32>
    %jit3A_343 = arith.constant 0.000000e+00 : f32
    %broadcast_in_dim3A_344 = vector.broadcast %jit3A_343 : f32 to vector<512xf32>
    %select_n3A_345 = arith.select %and3A_332, %mul3A_342, %broadcast_in_dim3A_344 : vector<512xi1>, vector<512xf32>
    %sub3A_346 = arith.constant 1.000000e+00 : f32
    %sub3A_347 = vector.broadcast %sub3A_346 : f32 to vector<512xf32>
    %sub3A_348 = arith.subf %sub3A_347, %div3A_327 : vector<512xf32>
    %mul3A_349 = arith.mulf %squeeze3A_17, %sub3A_348 : vector<512xf32>
    %mul3A_350 = arith.mulf %squeeze3A_25, %div3A_327 : vector<512xf32>
    %add3A_351 = arith.addf %mul3A_349, %mul3A_350 : vector<512xf32>
    %mul3A_352 = arith.mulf %add3A_351, %select_n3A_345 : vector<512xf32>
    %mul3A_353 = arith.mulf %squeeze3A_33, %sub3A_348 : vector<512xf32>
    %mul3A_354 = arith.mulf %squeeze3A_41, %div3A_327 : vector<512xf32>
    %add3A_355 = arith.addf %mul3A_353, %mul3A_354 : vector<512xf32>
    %mul3A_356 = arith.mulf %add3A_355, %select_n3A_345 : vector<512xf32>
    %mul3A_357 = arith.mulf %squeeze3A_49, %sub3A_348 : vector<512xf32>
    %mul3A_358 = arith.mulf %squeeze3A_57, %div3A_327 : vector<512xf32>
    %add3A_359 = arith.addf %mul3A_357, %mul3A_358 : vector<512xf32>
    %mul3A_360 = arith.mulf %add3A_359, %select_n3A_345 : vector<512xf32>
    %abs3A_361 = math.absf %squeeze3A_5 : vector<512xf32>
    %mul3A_362 = arith.mulf %add3A_137, %abs3A_361 : vector<512xf32>
    %abs3A_363 = math.absf %squeeze3A_7 : vector<512xf32>
    %mul3A_364 = arith.mulf %add3A_146, %abs3A_363 : vector<512xf32>
    %add3A_365 = arith.addf %mul3A_362, %mul3A_364 : vector<512xf32>
    %add3A_366 = arith.constant 9.99999993E-9 : f32
    %add3A_367 = vector.broadcast %add3A_366 : f32 to vector<512xf32>
    %add3A_368 = arith.addf %add3A_365, %add3A_367 : vector<512xf32>
    %div3A_369 = arith.divf %mul3A_362, %add3A_368 : vector<512xf32>
    %mul3A_370 = arith.mulf %squeeze3A_5, %squeeze3A_7 : vector<512xf32>
    %lt3A_371 = arith.constant 0.000000e+00 : f32
    %lt3A_372 = vector.broadcast %lt3A_371 : f32 to vector<512xf32>
    %lt3A_373 = arith.cmpf olt, %mul3A_370, %lt3A_372 : vector<512xf32>
    %and3A_374 = arith.andi %lt3A_373, %and3A : vector<512xi1>
    %slice3A_375 = vector.extract_strided_slice %transpose3A_112 {offsets = [4, 0], sizes = [1, 512], strides = [1, 1]} : vector<12x512xf32> to vector<1x512xf32>
    %squeeze3A_376 = vector.shape_cast %slice3A_375 : vector<1x512xf32> to vector<512xf32>
    %tanh3A_377 = math.tanh %squeeze3A_376 : vector<512xf32>
    %mul3A_378 = arith.constant 9.900000e-01 : f32
    %mul3A_379 = vector.broadcast %mul3A_378 : f32 to vector<512xf32>
    %mul3A_380 = arith.mulf %tanh3A_377, %mul3A_379 : vector<512xf32>
    %add3A_381 = arith.constant 1.000000e+00 : f32
    %add3A_382 = vector.broadcast %add3A_381 : f32 to vector<512xf32>
    %add3A_383 = arith.addf %mul3A_380, %add3A_382 : vector<512xf32>
    %mul3A_384 = arith.mulf %add3A_383, %add3A_198 : vector<512xf32>
    %jit3A_385 = arith.constant 0.000000e+00 : f32
    %broadcast_in_dim3A_386 = vector.broadcast %jit3A_385 : f32 to vector<512xf32>
    %select_n3A_387 = arith.select %and3A_374, %mul3A_384, %broadcast_in_dim3A_386 : vector<512xi1>, vector<512xf32>
    %sub3A_388 = arith.constant 1.000000e+00 : f32
    %sub3A_389 = vector.broadcast %sub3A_388 : f32 to vector<512xf32>
    %sub3A_390 = arith.subf %sub3A_389, %div3A_369 : vector<512xf32>
    %mul3A_391 = arith.mulf %squeeze3A_21, %sub3A_390 : vector<512xf32>
    %mul3A_392 = arith.mulf %squeeze3A_23, %div3A_369 : vector<512xf32>
    %add3A_393 = arith.addf %mul3A_391, %mul3A_392 : vector<512xf32>
    %mul3A_394 = arith.mulf %add3A_393, %select_n3A_387 : vector<512xf32>
    %mul3A_395 = arith.mulf %squeeze3A_37, %sub3A_390 : vector<512xf32>
    %mul3A_396 = arith.mulf %squeeze3A_39, %div3A_369 : vector<512xf32>
    %add3A_397 = arith.addf %mul3A_395, %mul3A_396 : vector<512xf32>
    %mul3A_398 = arith.mulf %add3A_397, %select_n3A_387 : vector<512xf32>
    %mul3A_399 = arith.mulf %squeeze3A_53, %sub3A_390 : vector<512xf32>
    %mul3A_400 = arith.mulf %squeeze3A_55, %div3A_369 : vector<512xf32>
    %add3A_401 = arith.addf %mul3A_399, %mul3A_400 : vector<512xf32>
    %mul3A_402 = arith.mulf %add3A_401, %select_n3A_387 : vector<512xf32>
    %abs3A_403 = math.absf %squeeze3A_7 : vector<512xf32>
    %mul3A_404 = arith.mulf %add3A_146, %abs3A_403 : vector<512xf32>
    %abs3A_405 = math.absf %squeeze3A_15 : vector<512xf32>
    %mul3A_406 = arith.mulf %add3A_182, %abs3A_405 : vector<512xf32>
    %add3A_407 = arith.addf %mul3A_404, %mul3A_406 : vector<512xf32>
    %add3A_408 = arith.constant 9.99999993E-9 : f32
    %add3A_409 = vector.broadcast %add3A_408 : f32 to vector<512xf32>
    %add3A_410 = arith.addf %add3A_407, %add3A_409 : vector<512xf32>
    %div3A_411 = arith.divf %mul3A_404, %add3A_410 : vector<512xf32>
    %mul3A_412 = arith.mulf %squeeze3A_7, %squeeze3A_15 : vector<512xf32>
    %lt3A_413 = arith.constant 0.000000e+00 : f32
    %lt3A_414 = vector.broadcast %lt3A_413 : f32 to vector<512xf32>
    %lt3A_415 = arith.cmpf olt, %mul3A_412, %lt3A_414 : vector<512xf32>
    %and3A_416 = arith.andi %lt3A_415, %and3A : vector<512xi1>
    %slice3A_417 = vector.extract_strided_slice %transpose3A_112 {offsets = [5, 0], sizes = [1, 512], strides = [1, 1]} : vector<12x512xf32> to vector<1x512xf32>
    %squeeze3A_418 = vector.shape_cast %slice3A_417 : vector<1x512xf32> to vector<512xf32>
    %tanh3A_419 = math.tanh %squeeze3A_418 : vector<512xf32>
    %mul3A_420 = arith.constant 9.900000e-01 : f32
    %mul3A_421 = vector.broadcast %mul3A_420 : f32 to vector<512xf32>
    %mul3A_422 = arith.mulf %tanh3A_419, %mul3A_421 : vector<512xf32>
    %add3A_423 = arith.constant 1.000000e+00 : f32
    %add3A_424 = vector.broadcast %add3A_423 : f32 to vector<512xf32>
    %add3A_425 = arith.addf %mul3A_422, %add3A_424 : vector<512xf32>
    %mul3A_426 = arith.mulf %add3A_425, %add3A_198 : vector<512xf32>
    %jit3A_427 = arith.constant 0.000000e+00 : f32
    %broadcast_in_dim3A_428 = vector.broadcast %jit3A_427 : f32 to vector<512xf32>
    %select_n3A_429 = arith.select %and3A_416, %mul3A_426, %broadcast_in_dim3A_428 : vector<512xi1>, vector<512xf32>
    %sub3A_430 = arith.constant 1.000000e+00 : f32
    %sub3A_431 = vector.broadcast %sub3A_430 : f32 to vector<512xf32>
    %sub3A_432 = arith.subf %sub3A_431, %div3A_411 : vector<512xf32>
    %mul3A_433 = arith.mulf %squeeze3A_23, %sub3A_432 : vector<512xf32>
    %mul3A_434 = arith.mulf %squeeze3A_31, %div3A_411 : vector<512xf32>
    %add3A_435 = arith.addf %mul3A_433, %mul3A_434 : vector<512xf32>
    %mul3A_436 = arith.mulf %add3A_435, %select_n3A_429 : vector<512xf32>
    %mul3A_437 = arith.mulf %squeeze3A_39, %sub3A_432 : vector<512xf32>
    %mul3A_438 = arith.mulf %squeeze3A_47, %div3A_411 : vector<512xf32>
    %add3A_439 = arith.addf %mul3A_437, %mul3A_438 : vector<512xf32>
    %mul3A_440 = arith.mulf %add3A_439, %select_n3A_429 : vector<512xf32>
    %mul3A_441 = arith.mulf %squeeze3A_55, %sub3A_432 : vector<512xf32>
    %mul3A_442 = arith.mulf %squeeze3A_63, %div3A_411 : vector<512xf32>
    %add3A_443 = arith.addf %mul3A_441, %mul3A_442 : vector<512xf32>
    %mul3A_444 = arith.mulf %add3A_443, %select_n3A_429 : vector<512xf32>
    %abs3A_445 = math.absf %squeeze3A_13 : vector<512xf32>
    %mul3A_446 = arith.mulf %add3A_173, %abs3A_445 : vector<512xf32>
    %abs3A_447 = math.absf %squeeze3A_15 : vector<512xf32>
    %mul3A_448 = arith.mulf %add3A_182, %abs3A_447 : vector<512xf32>
    %add3A_449 = arith.addf %mul3A_446, %mul3A_448 : vector<512xf32>
    %add3A_450 = arith.constant 9.99999993E-9 : f32
    %add3A_451 = vector.broadcast %add3A_450 : f32 to vector<512xf32>
    %add3A_452 = arith.addf %add3A_449, %add3A_451 : vector<512xf32>
    %div3A_453 = arith.divf %mul3A_446, %add3A_452 : vector<512xf32>
    %mul3A_454 = arith.mulf %squeeze3A_13, %squeeze3A_15 : vector<512xf32>
    %lt3A_455 = arith.constant 0.000000e+00 : f32
    %lt3A_456 = vector.broadcast %lt3A_455 : f32 to vector<512xf32>
    %lt3A_457 = arith.cmpf olt, %mul3A_454, %lt3A_456 : vector<512xf32>
    %and3A_458 = arith.andi %lt3A_457, %and3A : vector<512xi1>
    %slice3A_459 = vector.extract_strided_slice %transpose3A_112 {offsets = [6, 0], sizes = [1, 512], strides = [1, 1]} : vector<12x512xf32> to vector<1x512xf32>
    %squeeze3A_460 = vector.shape_cast %slice3A_459 : vector<1x512xf32> to vector<512xf32>
    %tanh3A_461 = math.tanh %squeeze3A_460 : vector<512xf32>
    %mul3A_462 = arith.constant 9.900000e-01 : f32
    %mul3A_463 = vector.broadcast %mul3A_462 : f32 to vector<512xf32>
    %mul3A_464 = arith.mulf %tanh3A_461, %mul3A_463 : vector<512xf32>
    %add3A_465 = arith.constant 1.000000e+00 : f32
    %add3A_466 = vector.broadcast %add3A_465 : f32 to vector<512xf32>
    %add3A_467 = arith.addf %mul3A_464, %add3A_466 : vector<512xf32>
    %mul3A_468 = arith.mulf %add3A_467, %add3A_198 : vector<512xf32>
    %jit3A_469 = arith.constant 0.000000e+00 : f32
    %broadcast_in_dim3A_470 = vector.broadcast %jit3A_469 : f32 to vector<512xf32>
    %select_n3A_471 = arith.select %and3A_458, %mul3A_468, %broadcast_in_dim3A_470 : vector<512xi1>, vector<512xf32>
    %sub3A_472 = arith.constant 1.000000e+00 : f32
    %sub3A_473 = vector.broadcast %sub3A_472 : f32 to vector<512xf32>
    %sub3A_474 = arith.subf %sub3A_473, %div3A_453 : vector<512xf32>
    %mul3A_475 = arith.mulf %squeeze3A_29, %sub3A_474 : vector<512xf32>
    %mul3A_476 = arith.mulf %squeeze3A_31, %div3A_453 : vector<512xf32>
    %add3A_477 = arith.addf %mul3A_475, %mul3A_476 : vector<512xf32>
    %mul3A_478 = arith.mulf %add3A_477, %select_n3A_471 : vector<512xf32>
    %mul3A_479 = arith.mulf %squeeze3A_45, %sub3A_474 : vector<512xf32>
    %mul3A_480 = arith.mulf %squeeze3A_47, %div3A_453 : vector<512xf32>
    %add3A_481 = arith.addf %mul3A_479, %mul3A_480 : vector<512xf32>
    %mul3A_482 = arith.mulf %add3A_481, %select_n3A_471 : vector<512xf32>
    %mul3A_483 = arith.mulf %squeeze3A_61, %sub3A_474 : vector<512xf32>
    %mul3A_484 = arith.mulf %squeeze3A_63, %div3A_453 : vector<512xf32>
    %add3A_485 = arith.addf %mul3A_483, %mul3A_484 : vector<512xf32>
    %mul3A_486 = arith.mulf %add3A_485, %select_n3A_471 : vector<512xf32>
    %abs3A_487 = math.absf %squeeze3A_5 : vector<512xf32>
    %mul3A_488 = arith.mulf %add3A_137, %abs3A_487 : vector<512xf32>
    %abs3A_489 = math.absf %squeeze3A_13 : vector<512xf32>
    %mul3A_490 = arith.mulf %add3A_173, %abs3A_489 : vector<512xf32>
    %add3A_491 = arith.addf %mul3A_488, %mul3A_490 : vector<512xf32>
    %add3A_492 = arith.constant 9.99999993E-9 : f32
    %add3A_493 = vector.broadcast %add3A_492 : f32 to vector<512xf32>
    %add3A_494 = arith.addf %add3A_491, %add3A_493 : vector<512xf32>
    %div3A_495 = arith.divf %mul3A_488, %add3A_494 : vector<512xf32>
    %mul3A_496 = arith.mulf %squeeze3A_5, %squeeze3A_13 : vector<512xf32>
    %lt3A_497 = arith.constant 0.000000e+00 : f32
    %lt3A_498 = vector.broadcast %lt3A_497 : f32 to vector<512xf32>
    %lt3A_499 = arith.cmpf olt, %mul3A_496, %lt3A_498 : vector<512xf32>
    %and3A_500 = arith.andi %lt3A_499, %and3A : vector<512xi1>
    %slice3A_501 = vector.extract_strided_slice %transpose3A_112 {offsets = [7, 0], sizes = [1, 512], strides = [1, 1]} : vector<12x512xf32> to vector<1x512xf32>
    %squeeze3A_502 = vector.shape_cast %slice3A_501 : vector<1x512xf32> to vector<512xf32>
    %tanh3A_503 = math.tanh %squeeze3A_502 : vector<512xf32>
    %mul3A_504 = arith.constant 9.900000e-01 : f32
    %mul3A_505 = vector.broadcast %mul3A_504 : f32 to vector<512xf32>
    %mul3A_506 = arith.mulf %tanh3A_503, %mul3A_505 : vector<512xf32>
    %add3A_507 = arith.constant 1.000000e+00 : f32
    %add3A_508 = vector.broadcast %add3A_507 : f32 to vector<512xf32>
    %add3A_509 = arith.addf %mul3A_506, %add3A_508 : vector<512xf32>
    %mul3A_510 = arith.mulf %add3A_509, %add3A_198 : vector<512xf32>
    %jit3A_511 = arith.constant 0.000000e+00 : f32
    %broadcast_in_dim3A_512 = vector.broadcast %jit3A_511 : f32 to vector<512xf32>
    %select_n3A_513 = arith.select %and3A_500, %mul3A_510, %broadcast_in_dim3A_512 : vector<512xi1>, vector<512xf32>
    %sub3A_514 = arith.constant 1.000000e+00 : f32
    %sub3A_515 = vector.broadcast %sub3A_514 : f32 to vector<512xf32>
    %sub3A_516 = arith.subf %sub3A_515, %div3A_495 : vector<512xf32>
    %mul3A_517 = arith.mulf %squeeze3A_21, %sub3A_516 : vector<512xf32>
    %mul3A_518 = arith.mulf %squeeze3A_29, %div3A_495 : vector<512xf32>
    %add3A_519 = arith.addf %mul3A_517, %mul3A_518 : vector<512xf32>
    %mul3A_520 = arith.mulf %add3A_519, %select_n3A_513 : vector<512xf32>
    %mul3A_521 = arith.mulf %squeeze3A_37, %sub3A_516 : vector<512xf32>
    %mul3A_522 = arith.mulf %squeeze3A_45, %div3A_495 : vector<512xf32>
    %add3A_523 = arith.addf %mul3A_521, %mul3A_522 : vector<512xf32>
    %mul3A_524 = arith.mulf %add3A_523, %select_n3A_513 : vector<512xf32>
    %mul3A_525 = arith.mulf %squeeze3A_53, %sub3A_516 : vector<512xf32>
    %mul3A_526 = arith.mulf %squeeze3A_61, %div3A_495 : vector<512xf32>
    %add3A_527 = arith.addf %mul3A_525, %mul3A_526 : vector<512xf32>
    %mul3A_528 = arith.mulf %add3A_527, %select_n3A_513 : vector<512xf32>
    %abs3A_529 = math.absf %squeeze3A_5 : vector<512xf32>
    %mul3A_530 = arith.mulf %add3A_137, %abs3A_529 : vector<512xf32>
    %abs3A_531 = math.absf %squeeze3A : vector<512xf32>
    %mul3A_532 = arith.mulf %add3A_119, %abs3A_531 : vector<512xf32>
    %add3A_533 = arith.addf %mul3A_530, %mul3A_532 : vector<512xf32>
    %add3A_534 = arith.constant 9.99999993E-9 : f32
    %add3A_535 = vector.broadcast %add3A_534 : f32 to vector<512xf32>
    %add3A_536 = arith.addf %add3A_533, %add3A_535 : vector<512xf32>
    %div3A_537 = arith.divf %mul3A_530, %add3A_536 : vector<512xf32>
    %mul3A_538 = arith.mulf %squeeze3A_5, %squeeze3A : vector<512xf32>
    %lt3A_539 = arith.constant 0.000000e+00 : f32
    %lt3A_540 = vector.broadcast %lt3A_539 : f32 to vector<512xf32>
    %lt3A_541 = arith.cmpf olt, %mul3A_538, %lt3A_540 : vector<512xf32>
    %and3A_542 = arith.andi %lt3A_541, %and3A : vector<512xi1>
    %slice3A_543 = vector.extract_strided_slice %transpose3A_112 {offsets = [8, 0], sizes = [1, 512], strides = [1, 1]} : vector<12x512xf32> to vector<1x512xf32>
    %squeeze3A_544 = vector.shape_cast %slice3A_543 : vector<1x512xf32> to vector<512xf32>
    %tanh3A_545 = math.tanh %squeeze3A_544 : vector<512xf32>
    %mul3A_546 = arith.constant 9.900000e-01 : f32
    %mul3A_547 = vector.broadcast %mul3A_546 : f32 to vector<512xf32>
    %mul3A_548 = arith.mulf %tanh3A_545, %mul3A_547 : vector<512xf32>
    %add3A_549 = arith.constant 1.000000e+00 : f32
    %add3A_550 = vector.broadcast %add3A_549 : f32 to vector<512xf32>
    %add3A_551 = arith.addf %mul3A_548, %add3A_550 : vector<512xf32>
    %mul3A_552 = arith.mulf %add3A_551, %add3A_198 : vector<512xf32>
    %jit3A_553 = arith.constant 0.000000e+00 : f32
    %broadcast_in_dim3A_554 = vector.broadcast %jit3A_553 : f32 to vector<512xf32>
    %select_n3A_555 = arith.select %and3A_542, %mul3A_552, %broadcast_in_dim3A_554 : vector<512xi1>, vector<512xf32>
    %sub3A_556 = arith.constant 1.000000e+00 : f32
    %sub3A_557 = vector.broadcast %sub3A_556 : f32 to vector<512xf32>
    %sub3A_558 = arith.subf %sub3A_557, %div3A_537 : vector<512xf32>
    %mul3A_559 = arith.mulf %squeeze3A_21, %sub3A_558 : vector<512xf32>
    %mul3A_560 = arith.mulf %squeeze3A_17, %div3A_537 : vector<512xf32>
    %add3A_561 = arith.addf %mul3A_559, %mul3A_560 : vector<512xf32>
    %mul3A_562 = arith.mulf %add3A_561, %select_n3A_555 : vector<512xf32>
    %mul3A_563 = arith.mulf %squeeze3A_37, %sub3A_558 : vector<512xf32>
    %mul3A_564 = arith.mulf %squeeze3A_33, %div3A_537 : vector<512xf32>
    %add3A_565 = arith.addf %mul3A_563, %mul3A_564 : vector<512xf32>
    %mul3A_566 = arith.mulf %add3A_565, %select_n3A_555 : vector<512xf32>
    %mul3A_567 = arith.mulf %squeeze3A_53, %sub3A_558 : vector<512xf32>
    %mul3A_568 = arith.mulf %squeeze3A_49, %div3A_537 : vector<512xf32>
    %add3A_569 = arith.addf %mul3A_567, %mul3A_568 : vector<512xf32>
    %mul3A_570 = arith.mulf %add3A_569, %select_n3A_555 : vector<512xf32>
    %abs3A_571 = math.absf %squeeze3A_7 : vector<512xf32>
    %mul3A_572 = arith.mulf %add3A_146, %abs3A_571 : vector<512xf32>
    %abs3A_573 = math.absf %squeeze3A_3 : vector<512xf32>
    %mul3A_574 = arith.mulf %add3A_128, %abs3A_573 : vector<512xf32>
    %add3A_575 = arith.addf %mul3A_572, %mul3A_574 : vector<512xf32>
    %add3A_576 = arith.constant 9.99999993E-9 : f32
    %add3A_577 = vector.broadcast %add3A_576 : f32 to vector<512xf32>
    %add3A_578 = arith.addf %add3A_575, %add3A_577 : vector<512xf32>
    %div3A_579 = arith.divf %mul3A_572, %add3A_578 : vector<512xf32>
    %mul3A_580 = arith.mulf %squeeze3A_7, %squeeze3A_3 : vector<512xf32>
    %lt3A_581 = arith.constant 0.000000e+00 : f32
    %lt3A_582 = vector.broadcast %lt3A_581 : f32 to vector<512xf32>
    %lt3A_583 = arith.cmpf olt, %mul3A_580, %lt3A_582 : vector<512xf32>
    %and3A_584 = arith.andi %lt3A_583, %and3A : vector<512xi1>
    %slice3A_585 = vector.extract_strided_slice %transpose3A_112 {offsets = [9, 0], sizes = [1, 512], strides = [1, 1]} : vector<12x512xf32> to vector<1x512xf32>
    %squeeze3A_586 = vector.shape_cast %slice3A_585 : vector<1x512xf32> to vector<512xf32>
    %tanh3A_587 = math.tanh %squeeze3A_586 : vector<512xf32>
    %mul3A_588 = arith.constant 9.900000e-01 : f32
    %mul3A_589 = vector.broadcast %mul3A_588 : f32 to vector<512xf32>
    %mul3A_590 = arith.mulf %tanh3A_587, %mul3A_589 : vector<512xf32>
    %add3A_591 = arith.constant 1.000000e+00 : f32
    %add3A_592 = vector.broadcast %add3A_591 : f32 to vector<512xf32>
    %add3A_593 = arith.addf %mul3A_590, %add3A_592 : vector<512xf32>
    %mul3A_594 = arith.mulf %add3A_593, %add3A_198 : vector<512xf32>
    %jit3A_595 = arith.constant 0.000000e+00 : f32
    %broadcast_in_dim3A_596 = vector.broadcast %jit3A_595 : f32 to vector<512xf32>
    %select_n3A_597 = arith.select %and3A_584, %mul3A_594, %broadcast_in_dim3A_596 : vector<512xi1>, vector<512xf32>
    %sub3A_598 = arith.constant 1.000000e+00 : f32
    %sub3A_599 = vector.broadcast %sub3A_598 : f32 to vector<512xf32>
    %sub3A_600 = arith.subf %sub3A_599, %div3A_579 : vector<512xf32>
    %mul3A_601 = arith.mulf %squeeze3A_23, %sub3A_600 : vector<512xf32>
    %mul3A_602 = arith.mulf %squeeze3A_19, %div3A_579 : vector<512xf32>
    %add3A_603 = arith.addf %mul3A_601, %mul3A_602 : vector<512xf32>
    %mul3A_604 = arith.mulf %add3A_603, %select_n3A_597 : vector<512xf32>
    %mul3A_605 = arith.mulf %squeeze3A_39, %sub3A_600 : vector<512xf32>
    %mul3A_606 = arith.mulf %squeeze3A_35, %div3A_579 : vector<512xf32>
    %add3A_607 = arith.addf %mul3A_605, %mul3A_606 : vector<512xf32>
    %mul3A_608 = arith.mulf %add3A_607, %select_n3A_597 : vector<512xf32>
    %mul3A_609 = arith.mulf %squeeze3A_55, %sub3A_600 : vector<512xf32>
    %mul3A_610 = arith.mulf %squeeze3A_51, %div3A_579 : vector<512xf32>
    %add3A_611 = arith.addf %mul3A_609, %mul3A_610 : vector<512xf32>
    %mul3A_612 = arith.mulf %add3A_611, %select_n3A_597 : vector<512xf32>
    %abs3A_613 = math.absf %squeeze3A_15 : vector<512xf32>
    %mul3A_614 = arith.mulf %add3A_182, %abs3A_613 : vector<512xf32>
    %abs3A_615 = math.absf %squeeze3A_11 : vector<512xf32>
    %mul3A_616 = arith.mulf %add3A_164, %abs3A_615 : vector<512xf32>
    %add3A_617 = arith.addf %mul3A_614, %mul3A_616 : vector<512xf32>
    %add3A_618 = arith.constant 9.99999993E-9 : f32
    %add3A_619 = vector.broadcast %add3A_618 : f32 to vector<512xf32>
    %add3A_620 = arith.addf %add3A_617, %add3A_619 : vector<512xf32>
    %div3A_621 = arith.divf %mul3A_614, %add3A_620 : vector<512xf32>
    %mul3A_622 = arith.mulf %squeeze3A_15, %squeeze3A_11 : vector<512xf32>
    %lt3A_623 = arith.constant 0.000000e+00 : f32
    %lt3A_624 = vector.broadcast %lt3A_623 : f32 to vector<512xf32>
    %lt3A_625 = arith.cmpf olt, %mul3A_622, %lt3A_624 : vector<512xf32>
    %and3A_626 = arith.andi %lt3A_625, %and3A : vector<512xi1>
    %slice3A_627 = vector.extract_strided_slice %transpose3A_112 {offsets = [10, 0], sizes = [1, 512], strides = [1, 1]} : vector<12x512xf32> to vector<1x512xf32>
    %squeeze3A_628 = vector.shape_cast %slice3A_627 : vector<1x512xf32> to vector<512xf32>
    %tanh3A_629 = math.tanh %squeeze3A_628 : vector<512xf32>
    %mul3A_630 = arith.constant 9.900000e-01 : f32
    %mul3A_631 = vector.broadcast %mul3A_630 : f32 to vector<512xf32>
    %mul3A_632 = arith.mulf %tanh3A_629, %mul3A_631 : vector<512xf32>
    %add3A_633 = arith.constant 1.000000e+00 : f32
    %add3A_634 = vector.broadcast %add3A_633 : f32 to vector<512xf32>
    %add3A_635 = arith.addf %mul3A_632, %add3A_634 : vector<512xf32>
    %mul3A_636 = arith.mulf %add3A_635, %add3A_198 : vector<512xf32>
    %jit3A_637 = arith.constant 0.000000e+00 : f32
    %broadcast_in_dim3A_638 = vector.broadcast %jit3A_637 : f32 to vector<512xf32>
    %select_n3A_639 = arith.select %and3A_626, %mul3A_636, %broadcast_in_dim3A_638 : vector<512xi1>, vector<512xf32>
    %sub3A_640 = arith.constant 1.000000e+00 : f32
    %sub3A_641 = vector.broadcast %sub3A_640 : f32 to vector<512xf32>
    %sub3A_642 = arith.subf %sub3A_641, %div3A_621 : vector<512xf32>
    %mul3A_643 = arith.mulf %squeeze3A_31, %sub3A_642 : vector<512xf32>
    %mul3A_644 = arith.mulf %squeeze3A_27, %div3A_621 : vector<512xf32>
    %add3A_645 = arith.addf %mul3A_643, %mul3A_644 : vector<512xf32>
    %mul3A_646 = arith.mulf %add3A_645, %select_n3A_639 : vector<512xf32>
    %mul3A_647 = arith.mulf %squeeze3A_47, %sub3A_642 : vector<512xf32>
    %mul3A_648 = arith.mulf %squeeze3A_43, %div3A_621 : vector<512xf32>
    %add3A_649 = arith.addf %mul3A_647, %mul3A_648 : vector<512xf32>
    %mul3A_650 = arith.mulf %add3A_649, %select_n3A_639 : vector<512xf32>
    %mul3A_651 = arith.mulf %squeeze3A_63, %sub3A_642 : vector<512xf32>
    %mul3A_652 = arith.mulf %squeeze3A_59, %div3A_621 : vector<512xf32>
    %add3A_653 = arith.addf %mul3A_651, %mul3A_652 : vector<512xf32>
    %mul3A_654 = arith.mulf %add3A_653, %select_n3A_639 : vector<512xf32>
    %abs3A_655 = math.absf %squeeze3A_13 : vector<512xf32>
    %mul3A_656 = arith.mulf %add3A_173, %abs3A_655 : vector<512xf32>
    %abs3A_657 = math.absf %squeeze3A_9 : vector<512xf32>
    %mul3A_658 = arith.mulf %add3A_155, %abs3A_657 : vector<512xf32>
    %add3A_659 = arith.addf %mul3A_656, %mul3A_658 : vector<512xf32>
    %add3A_660 = arith.constant 9.99999993E-9 : f32
    %add3A_661 = vector.broadcast %add3A_660 : f32 to vector<512xf32>
    %add3A_662 = arith.addf %add3A_659, %add3A_661 : vector<512xf32>
    %div3A_663 = arith.divf %mul3A_656, %add3A_662 : vector<512xf32>
    %mul3A_664 = arith.mulf %squeeze3A_13, %squeeze3A_9 : vector<512xf32>
    %lt3A_665 = arith.constant 0.000000e+00 : f32
    %lt3A_666 = vector.broadcast %lt3A_665 : f32 to vector<512xf32>
    %lt3A_667 = arith.cmpf olt, %mul3A_664, %lt3A_666 : vector<512xf32>
    %and3A_668 = arith.andi %lt3A_667, %and3A : vector<512xi1>
    %slice3A_669 = vector.extract_strided_slice %transpose3A_112 {offsets = [11, 0], sizes = [1, 512], strides = [1, 1]} : vector<12x512xf32> to vector<1x512xf32>
    %squeeze3A_670 = vector.shape_cast %slice3A_669 : vector<1x512xf32> to vector<512xf32>
    %tanh3A_671 = math.tanh %squeeze3A_670 : vector<512xf32>
    %mul3A_672 = arith.constant 9.900000e-01 : f32
    %mul3A_673 = vector.broadcast %mul3A_672 : f32 to vector<512xf32>
    %mul3A_674 = arith.mulf %tanh3A_671, %mul3A_673 : vector<512xf32>
    %add3A_675 = arith.constant 1.000000e+00 : f32
    %add3A_676 = vector.broadcast %add3A_675 : f32 to vector<512xf32>
    %add3A_677 = arith.addf %mul3A_674, %add3A_676 : vector<512xf32>
    %mul3A_678 = arith.mulf %add3A_677, %add3A_198 : vector<512xf32>
    %jit3A_679 = arith.constant 0.000000e+00 : f32
    %broadcast_in_dim3A_680 = vector.broadcast %jit3A_679 : f32 to vector<512xf32>
    %select_n3A_681 = arith.select %and3A_668, %mul3A_678, %broadcast_in_dim3A_680 : vector<512xi1>, vector<512xf32>
    %sub3A_682 = arith.constant 1.000000e+00 : f32
    %sub3A_683 = vector.broadcast %sub3A_682 : f32 to vector<512xf32>
    %sub3A_684 = arith.subf %sub3A_683, %div3A_663 : vector<512xf32>
    %mul3A_685 = arith.mulf %squeeze3A_29, %sub3A_684 : vector<512xf32>
    %mul3A_686 = arith.mulf %squeeze3A_25, %div3A_663 : vector<512xf32>
    %add3A_687 = arith.addf %mul3A_685, %mul3A_686 : vector<512xf32>
    %mul3A_688 = arith.mulf %add3A_687, %select_n3A_681 : vector<512xf32>
    %mul3A_689 = arith.mulf %squeeze3A_45, %sub3A_684 : vector<512xf32>
    %mul3A_690 = arith.mulf %squeeze3A_41, %div3A_663 : vector<512xf32>
    %add3A_691 = arith.addf %mul3A_689, %mul3A_690 : vector<512xf32>
    %mul3A_692 = arith.mulf %add3A_691, %select_n3A_681 : vector<512xf32>
    %mul3A_693 = arith.mulf %squeeze3A_61, %sub3A_684 : vector<512xf32>
    %mul3A_694 = arith.mulf %squeeze3A_57, %div3A_663 : vector<512xf32>
    %add3A_695 = arith.addf %mul3A_693, %mul3A_694 : vector<512xf32>
    %mul3A_696 = arith.mulf %add3A_695, %select_n3A_681 : vector<512xf32>
    %stack3A = vector.shape_cast %mul3A_226 : vector<512xf32> to vector<1x512xf32>
    %stack3A_697 = vector.shape_cast %mul3A_230 : vector<512xf32> to vector<1x512xf32>
    %stack3A_698 = vector.shape_cast %mul3A_234 : vector<512xf32> to vector<1x512xf32>
    %stack3A_699 = vector.shape_cast %mul3A_268 : vector<512xf32> to vector<1x512xf32>
    %stack3A_700 = vector.shape_cast %mul3A_272 : vector<512xf32> to vector<1x512xf32>
    %stack3A_701 = vector.shape_cast %mul3A_276 : vector<512xf32> to vector<1x512xf32>
    %stack3A_702 = vector.shape_cast %mul3A_310 : vector<512xf32> to vector<1x512xf32>
    %stack3A_703 = vector.shape_cast %mul3A_314 : vector<512xf32> to vector<1x512xf32>
    %stack3A_704 = vector.shape_cast %mul3A_318 : vector<512xf32> to vector<1x512xf32>
    %stack3A_705 = vector.shape_cast %mul3A_352 : vector<512xf32> to vector<1x512xf32>
    %stack3A_706 = vector.shape_cast %mul3A_356 : vector<512xf32> to vector<1x512xf32>
    %stack3A_707 = vector.shape_cast %mul3A_360 : vector<512xf32> to vector<1x512xf32>
    %stack3A_708 = vector.shape_cast %mul3A_394 : vector<512xf32> to vector<1x512xf32>
    %stack3A_709 = vector.shape_cast %mul3A_398 : vector<512xf32> to vector<1x512xf32>
    %stack3A_710 = vector.shape_cast %mul3A_402 : vector<512xf32> to vector<1x512xf32>
    %stack3A_711 = vector.shape_cast %mul3A_436 : vector<512xf32> to vector<1x512xf32>
    %stack3A_712 = vector.shape_cast %mul3A_440 : vector<512xf32> to vector<1x512xf32>
    %stack3A_713 = vector.shape_cast %mul3A_444 : vector<512xf32> to vector<1x512xf32>
    %stack3A_714 = vector.shape_cast %mul3A_478 : vector<512xf32> to vector<1x512xf32>
    %stack3A_715 = vector.shape_cast %mul3A_482 : vector<512xf32> to vector<1x512xf32>
    %stack3A_716 = vector.shape_cast %mul3A_486 : vector<512xf32> to vector<1x512xf32>
    %stack3A_717 = vector.shape_cast %mul3A_520 : vector<512xf32> to vector<1x512xf32>
    %stack3A_718 = vector.shape_cast %mul3A_524 : vector<512xf32> to vector<1x512xf32>
    %stack3A_719 = vector.shape_cast %mul3A_528 : vector<512xf32> to vector<1x512xf32>
    %stack3A_720 = vector.shape_cast %mul3A_562 : vector<512xf32> to vector<1x512xf32>
    %stack3A_721 = vector.shape_cast %mul3A_566 : vector<512xf32> to vector<1x512xf32>
    %stack3A_722 = vector.shape_cast %mul3A_570 : vector<512xf32> to vector<1x512xf32>
    %stack3A_723 = vector.shape_cast %mul3A_604 : vector<512xf32> to vector<1x512xf32>
    %stack3A_724 = vector.shape_cast %mul3A_608 : vector<512xf32> to vector<1x512xf32>
    %stack3A_725 = vector.shape_cast %mul3A_612 : vector<512xf32> to vector<1x512xf32>
    %stack3A_726 = vector.shape_cast %mul3A_646 : vector<512xf32> to vector<1x512xf32>
    %stack3A_727 = vector.shape_cast %mul3A_650 : vector<512xf32> to vector<1x512xf32>
    %stack3A_728 = vector.shape_cast %mul3A_654 : vector<512xf32> to vector<1x512xf32>
    %stack3A_729 = vector.shape_cast %mul3A_688 : vector<512xf32> to vector<1x512xf32>
    %stack3A_730 = vector.shape_cast %mul3A_692 : vector<512xf32> to vector<1x512xf32>
    %stack3A_731 = vector.shape_cast %mul3A_696 : vector<512xf32> to vector<1x512xf32>
    %stack3A_732 = tpu.concatenate %stack3A, %stack3A_697, %stack3A_698, %stack3A_699, %stack3A_700, %stack3A_701, %stack3A_702, %stack3A_703, %stack3A_704, %stack3A_705, %stack3A_706, %stack3A_707, %stack3A_708, %stack3A_709, %stack3A_710, %stack3A_711, %stack3A_712, %stack3A_713, %stack3A_714, %stack3A_715, %stack3A_716, %stack3A_717, %stack3A_718, %stack3A_719, %stack3A_720, %stack3A_721, %stack3A_722, %stack3A_723, %stack3A_724, %stack3A_725, %stack3A_726, %stack3A_727, %stack3A_728, %stack3A_729, %stack3A_730, %stack3A_731 in 0 : vector<1x512xf32>, vector<1x512xf32>, vector<1x512xf32>, vector<1x512xf32>, vector<1x512xf32>, vector<1x512xf32>, vector<1x512xf32>, vector<1x512xf32>, vector<1x512xf32>, vector<1x512xf32>, vector<1x512xf32>, vector<1x512xf32>, vector<1x512xf32>, vector<1x512xf32>, vector<1x512xf32>, vector<1x512xf32>, vector<1x512xf32>, vector<1x512xf32>, vector<1x512xf32>, vector<1x512xf32>, vector<1x512xf32>, vector<1x512xf32>, vector<1x512xf32>, vector<1x512xf32>, vector<1x512xf32>, vector<1x512xf32>, vector<1x512xf32>, vector<1x512xf32>, vector<1x512xf32>, vector<1x512xf32>, vector<1x512xf32>, vector<1x512xf32>, vector<1x512xf32>, vector<1x512xf32>, vector<1x512xf32>, vector<1x512xf32> -> vector<36x512xf32>
    %transpose3A_733 = tpu.transpose %stack3A_732, [1, 0] : vector<36x512xf32> -> vector<512x36xf32>
    %swap3A = arith.constant 0 : index
    %swap3A_734 = arith.constant 0 : index
    %swap3A_735 = vector.load %arg5[%swap3A, %swap3A_734] : memref<512x36xf32, #tpu.memory_space<vmem>>, vector<512x36xf32>
    tpu.vector_store %arg5[%swap3A, %swap3A_734], %transpose3A_733 {strides = array<i32>} : memref<512x36xf32, #tpu.memory_space<vmem>>, vector<512x36xf32>,
    return
  }
  func.func @transform_0(%arg0: i32) -> (i32, i32) {
    %c0_i32 = arith.constant 0 : i32
    %c0_i32_0 = arith.constant 0 : i32
    return %arg0, %c0_i32 : i32, i32
  }
  func.func @transform_1(%arg0: i32) -> (i32, i32) {
    %c0_i32 = arith.constant 0 : i32
    %c0_i32_0 = arith.constant 0 : i32
    return %arg0, %c0_i32 : i32, i32
  }
  func.func @transform_2(%arg0: i32) -> (i32, i32) {
    %c0_i32 = arith.constant 0 : i32
    %c0_i32_0 = arith.constant 0 : i32
    return %arg0, %c0_i32 : i32, i32
  }
  func.func @transform_3(%arg0: i32) -> (i32, i32) {
    %c0_i32 = arith.constant 0 : i32
    %c0_i32_0 = arith.constant 0 : i32
    return %arg0, %c0_i32 : i32, i32
  }
  func.func @transform_4(%arg0: i32) -> (i32, i32) {
    %c0_i32 = arith.constant 0 : i32
    %c0_i32_0 = arith.constant 0 : i32
    return %arg0, %c0_i32 : i32, i32
  }
}

</mosaic_0001>

<sc_bundles>
// kernel: kernel.5.cloned.1.call-start
scs
__scs_entry_jumppad:
0x0: {  	(pc) =	sbr.rel $0x88, $3  }
0x1: {  	(tag) =	ssettag $0x0;
	lr =	simm.s32 $0x1  }
0x2: {  	[smem:$0x3F99] =	sst lr;
	_ =	strace $0xD0000000  }
0x3: {  	_ = 	snop  }
0x4: {  	_ = 	snop  }
0x5: {  	_ = 	snop  }
0x6: {  	_ = 	snop  }
0x7: {  	_ = 	snop  }
__scs_overlays_trampoline_lowered:
0x8: {  	[smem:$0x3FA8] =	sst s0  }
0x9: {  	[smem:$0x3FA9] =	sst s1  }
0xa: {  	[smem:$0x3FAA] =	sst s2  }
0xb: {  	[smem:$0x3FAB] =	sst s3  }
0xc: {  	[smem:$0x3FAC] =	sst s4  }
0xd: {  	[smem:$0x3FAD] =	sst s5  }
0xe: {  	[smem:$0x3FAE] =	sst s6  }
0xf: {  	[smem:$0x3FAF] =	sst s7  }
0x10: {  	[smem:$0x3FB0] =	sst s8  }
0x11: {  	[smem:$0x3FB1] =	sst s9;
	s0 =	simm.s32 @!p0 $0x0  }
0x12: {  	s1 =	sld [smem:$0x3F97];
	s0 =	simm.s32 @p0 $0x1  }
0x13: {  	[smem:$0x3FB2] =	sst s0;
	s0 =	simm.s32 @!p1 $0x0  }
0x14: {  	s2 =	sld [smem:$0x3F96];
	s0 =	simm.s32 @p1 $0x1  }
0x15: {  	[smem:$0x3FB3] =	sst s0;
	s0 =	simm.s32 @!p2 $0x0  }
0x16: {  	s3 =	sld [smem:$0x3FDB];
	s0 =	simm.s32 @p2 $0x1  }
0x17: {  	s4 =	simm.s32 $0x1BF5;
	[smem:$0x3FB5] =	sst s0  }
0x18: {  	s0 =	sld [smem:$0x3F98];
	_ =	swait.ge [sflag:s4], $0x0  }
0x19: {  	s7 =	sld [smem:$0x3F99]  }
0x1a: {  	s8 =	sadd.s32 $0xFFFFE003, lr  }
0x1b: {  	s9 =	sadd.s32 $0xFFFFFEF7, lr;
	s5 =	simm.s32 $0xFFFFFFFF;
	p2 =	slt.u32 s8, $0xFFFFF086  }
0x1c: {  	p1 =	slt.u32 s9, $0xF7A;
	s5 =	simm.s32 @!p2 $0x0  }
0x1d: {  	s5 =	simm.s32 @p1 $0x1;
	p0 =	seq.s32 s7, s2  }
0x1e: {  	s7 =	smul.u32 @!p0 $0xF7A, s2;
	p2 =	seq.s32 @!p0 s5, $0x0  }
0x1f: {  	s9 =	smul.u32 $0xF7A, s1;
	s8 =	simm.s32 @!p0 $0x1BF5;
	p2 =	por !p2, p0  }
0x20: {  	[sflag:s8] =	ssyncset.s32 @!p0 $0xFFFFF086;
	s6 =	sadd.s32 @!p0 s3, s7;
	s7 =	simm.s32 @!p0 $0x108  }
0x21: {  	s3 =	sadd.s32 s3, s9;
	s6 =	sadd.s32 @!p0 $0x88, s6;
	s7 =	simm.s32 @p2 $0x1082  }
0x22: {  	[simem:s7], [sflag:s8] =	dma.local @!p0 [hbm:s6], $0xF7A  }
0x23: {  	s9 =	sor.u32 $0xD0000000, s2;
	s6 =	simm.s32 $0x108;
	_ =	swait.ge @!p0 [sflag:s8], $0x0  }
0x24: {  	s3 =	sadd.s32 $0x88, s3;
	s6 =	simm.s32 @!p1 $0x1082;
	[sflag:s4] =	ssyncset.s32 $0xFFFFF086  }
0x25: {  	[simem:s6], [sflag:s4] =	dma.local [hbm:s3], $0xF7A  }
0x26: {  	[smem:$0x3F99] =	sst s1;
	(tag) =	ssettag s2;
	_ =	strace s9  }
0x27: {  	s1 =	sld [smem:$0x3FA9]  }
0x28: {  	s2 =	sld [smem:$0x3FAA]  }
0x29: {  	s4 =	sld [smem:$0x3FAC]  }
0x2a: {  	p0 =	seq.s32 s5, $0x0;
	s5 =	sld [smem:$0x3FAD]  }
0x2b: {  	s6 =	sld [smem:$0x3FAE]  }
0x2c: {  	s7 =	sld [smem:$0x3FAF]  }
0x2d: {  	s3 =	simm.s32 $0x108;
	s8 =	sld [smem:$0x3FB0]  }
0x2e: {  	s3 =	simm.s32 @!p0 $0x1082;
	s9 =	sld [smem:$0x3FB1]  }
0x2f: {  	lr =	sadd.s32 s0, s3;
	s0 =	sld [smem:$0x3FA8]  }
0x30: {  	s3 =	sld [smem:$0x3FAB]  }
0x31: {  	[smem:$0x3FB4] =	sst s10  }
0x32: {  	s10 =	sld [smem:$0x3FB2];
	_ =	sdelay $0x3  }
0x33: {  	p0 =	seq.s32 s10, $0x1;
	s10 =	sld [smem:$0x3FB4];
	_ =	sdelay $0x3  }
0x34: {  	[smem:$0x3FB4] =	sst s10  }
0x35: {  	s10 =	sld [smem:$0x3FB3];
	_ =	sdelay $0x3  }
0x36: {  	p1 =	seq.s32 s10, $0x1;
	s10 =	sld [smem:$0x3FB4];
	_ =	sdelay $0x3  }
0x37: {  	[smem:$0x3FB4] =	sst s10  }
0x38: {  	s10 =	sld [smem:$0x3FB5]  }
0x39: {  	_ = 	snop;
	(pc) =	sbr.ind lr, $3  }
0x3a: {  	_ = 	snop  }
0x3b: {  	_ = 	snop  }
0x3c: {  	p2 =	seq.s32 s10, $0x1;
	s10 =	sld [smem:$0x3FB4]  }
0x3d: {  	_ =	shalt  }
0x3e: {  	_ =	shalt  }
0x3f: {  	_ =	shalt  }
0x40: {  	_ =	shalt  }
0x41: {  	_ =	shalt  }
0x42: {  	_ =	shalt  }
0x43: {  	_ =	shalt  }
0x44: {  	_ =	shalt  }
0x45: {  	_ =	shalt  }
0x46: {  	_ =	shalt  }
0x47: {  	_ =	shalt  }
0x48: {  	_ =	shalt  }
0x49: {  	_ =	shalt  }
0x4a: {  	_ =	shalt  }
0x4b: {  	_ =	shalt  }
0x4c: {  	_ =	shalt  }
0x4d: {  	_ =	shalt  }
0x4e: {  	_ =	shalt  }
0x4f: {  	_ =	shalt  }
0x50: {  	_ =	shalt  }
0x51: {  	_ =	shalt  }
0x52: {  	_ =	shalt  }
0x53: {  	_ =	shalt  }
0x54: {  	_ =	shalt  }
0x55: {  	_ =	shalt  }
0x56: {  	_ =	shalt  }
0x57: {  	_ =	shalt  }
0x58: {  	_ =	shalt  }
0x59: {  	_ =	shalt  }
0x5a: {  	_ =	shalt  }
0x5b: {  	_ =	shalt  }
0x5c: {  	_ =	shalt  }
0x5d: {  	_ =	shalt  }
0x5e: {  	_ =	shalt  }
0x5f: {  	_ =	shalt  }
0x60: {  	_ =	shalt  }
0x61: {  	_ =	shalt  }
0x62: {  	_ =	shalt  }
0x63: {  	_ =	shalt  }
0x64: {  	_ =	shalt  }
0x65: {  	_ =	shalt  }
0x66: {  	_ =	shalt  }
0x67: {  	_ =	shalt  }
0x68: {  	_ =	shalt  }
0x69: {  	_ =	shalt  }
0x6a: {  	_ =	shalt  }
0x6b: {  	_ =	shalt  }
0x6c: {  	_ =	shalt  }
0x6d: {  	_ =	shalt  }
0x6e: {  	_ =	shalt  }
0x6f: {  	_ =	shalt  }
0x70: {  	_ =	shalt  }
0x71: {  	_ =	shalt  }
0x72: {  	_ =	shalt  }
0x73: {  	_ =	shalt  }
0x74: {  	_ =	shalt  }
0x75: {  	_ =	shalt  }
0x76: {  	_ =	shalt  }
0x77: {  	_ =	shalt  }
0x78: {  	_ =	shalt  }
0x79: {  	_ =	shalt  }
0x7a: {  	_ =	shalt  }
0x7b: {  	_ =	shalt  }
0x7c: {  	_ =	shalt  }
0x7d: {  	_ =	shalt  }
0x7e: {  	_ =	shalt  }
0x7f: {  	_ =	shalt  }
0x80: {  	_ =	shalt  }
0x81: {  	_ =	shalt  }
0x82: {  	_ =	shalt  }
0x83: {  	_ =	shalt  }
0x84: {  	_ =	shalt  }
0x85: {  	_ =	shalt  }
0x86: {  	_ =	shalt  }
0x87: {  	_ =	shalt  }
.Lfunc_end0:
.L_simem_size_0:
called_computation.2_lowered:
.L_overlay_start_0:
0x88: {  	s2 =	sld [smem:$0x3FD9]  }
0x89: {  	s3 =	sld [smem:$0x3FFE];
	_ =	sdelay $0x1  }
0x8a: {  	s1 =	srdreg.scid  }
0x8b: {  	s0 =	sand.u32 $0x1, s1  }
0x8c: {  	s17 =	sshll.u32 s0, $0xA;
	s2 =	sadd.s32 s3, s2  }
0x8d: {  	s2 =	sadd.s32 s2, s17  }
0x8e: {  	[smem:$0x3FC0] =	sst s2  }
0x8f: {  	_ = 	snop  }
0x90: {  	s2 =	sld [smem:$0x3FD0];
	(tm) =	ssettm $0x1  }
0x91: {  	s18 =	sld [smem:$0x3FFB];
	_ =	sdelay $0x3  }
0x92: {  	_ =	strace s18  }
0x93: {  	s3 =	sld [smem:$0x3FFC];
	_ =	sdelay $0x3  }
0x94: {  	_ =	strace s3  }
0x95: {  	s3 =	sld [smem:$0x3FFD];
	_ =	sdelay $0x3  }
0x96: {  	_ =	strace s3  }
0x97: {  	_ =	strace $0x8FFFFFFF  }
0x98: {  	s19 =	sld [smem:$0x3FDB];
	_ =	sdelay $0x1  }
0x99: {  	s4 =	simm.s32 $_scs_section_size  }
0x9a: {  	s5 =	simm.s32 $_size__tile_overlayer_lowered;
	s6 =	simm.s32 $_tile_overlayer_lowered  }
0x9b: {  	s22 =	simm.s32 $0x1BFF;
	s21 =	sshll.u32 s6, $0x1;
	s3 =	sadd.s32 s4, s19  }
0x9c: {  	s7 =	simm.s32 $0x0;
	s20 =	sshll.u32 s5, $0x1;
	s5 =	sadd.s32 s21, s3  }
0x9d: {  	[timem:s7], [sflag:s22] =	dma.local [hbm:s5], s20  }
0x9e: {  	_ =	swait.ge [sflag:s22], s20  }
0x9f: {  	s4 =	ssub.s32 $0x0, s20;
	[sflag:s22] =	ssyncset.done $0x0  }
0xa0: {  	[sflag:s22] =	ssyncadd.s32 s4;
	_ =	sdelay $0x1  }
0xa1: {  	s23 =	simm.s32 $0x1B8B  }
0xa2: {  	_ =	swait.ge [sflag:s23], $0x1  }
0xa3: {  	[sflag:s23] =	ssyncset.done $0x0  }
0xa4: {  	s25 =	simm.s32 $0x1B8E;
	s24 =	sld [smem:$0x3FFE];
	[sflag:s23] =	ssyncadd.s32 $0xFFFFFFFF  }
0xa5: {  	s26 =	simm.s32 $execute0_lowered;
	[smem:$0x3FD2] =	sst s25  }
0xa6: {  	s5 =	sshll.u32 s26, $0x1;
	_ =	strace $0x80000049;
	[dreg:$0x1] =	wrdreg $0xFFFFFFFF  }
0xa7: {  	s28 =	simm.s32 $_size_execute0_lowered;
	s3 =	sadd.s32 s3, s5;
	[dreg:$0x0] =	wrdreg $0x0  }
0xa8: {  	s5 =	sshll.u32 s28, $0x1;
	[dreg:$0x2] =	wrdreg s3  }
0xa9: {  	[dreg:$0x3] =	wrdreg s5  }
0xaa: {  	[dreg:$0x4] =	wrdreg $0xC0  }
0xab: {  	_ =	task [dreg:s7], $0x5FFFF  }
0xac: {  	[dreg:$0x1] =	wrdreg $0xFFFFFFFF  }
0xad: {  	[dreg:$0x0] =	wrdreg $0x60  }
0xae: {  	[dreg:$0x2] =	wrdreg s24  }
0xaf: {  	[dreg:$0x3] =	wrdreg s2  }
0xb0: {  	[dreg:$0x4] =	wrdreg $0x9  }
0xb1: {  	_ =	task.clear_ibuf [dreg:s7], $0x5FFFF;
	_ =	strace $0x90000049  }
0xb2: {  	s29 =	simm.s32 $0x9;
	_ =	strace $0x8000004B  }
0xb3: {  	_ =	swait.ge [sflag:s29], $0x1  }
0xb4: {  	[sflag:s29] =	ssyncadd.s32 $0xFFFFFFFF  }
0xb5: {  	_ =	strace $0x9000004B  }
0xb6: {  	_ =	sfence  }
0xb7: {  	s30 =	sld [smem:$0x0];
	_ =	sdelay $0x2  }
0xb8: {  	s31 =	sshll.u32 s1, $0xD;
	s1 =	sshrl.u32 s1, $0x2  }
0xb9: {  	s3 =	sand.u32 $0x4000, s31;
	s1 =	sadd.s32 s1, s30  }
0xba: {  	s0 =	sor.u32 s3, s0;
	s1 =	sshll.u32 s1, $0x11  }
0xbb: {  	s0 =	sor.u32 s1, s0  }
0xbc: {  	s0 =	sadd.s32 $0x8F2B, s0  }
0xbd: {  	[sflag:s0] =	ssyncadd.remote.s32 $0x1  }
0xbe: {  	_ =	sfence.sel $0xFFFF  }
0xbf: {  	[dreg:$0x0] =	wrdreg $0xFFFFFFFF;
	(pc) =	sbr.abs _section_cstart, $3  }
0xc0: {  	[dreg:$0x1] =	wrdreg $0xFFFFFFFF  }
0xc1: {  	_ =	task.clear_ibuf [dreg:s7], $0x2FFFF;
	_ =	strace $0x9FFFFFFF  }
0xc2: {  	(tm) =	ssettm $0x7FFFFFFF  }
0xc3: {  	_ =	shalt  }
tec
execute0_lowered:
.L_overlay_start_1:
0x0: {  	(tag) =	ssettag $0x1  }
0x1: {  	s1 =	srdreg.scid;
	s0 =	stileid.u32  }
0x2: {  	s17 =	sand.u32 $0x1, s1;
	s30 =	sshll.u32 s0, $0x1  }
0x3: {  	s5 =	rddreg [dreg:$0x0];
	s8 =	sor.u32 s17, s30  }
0x4: {  	s16 =	rddreg [dreg:$0x1];
	s18 =	smul.u32 $0x2800, s8  }
0x5: {  	s2 =	simm.s32 $0x0;
	s1 =	rddreg [dreg:$0x2]  }
0x6: {  	[smem:$0x7FF] =	sst s2;
	s15 =	sadd.s32 $0x1600, s5;
	s3 =	sshrl.u32 s18, $0x3  }
0x7: {  	_ =	strace $0x8000004A;
	s4 =	sadd.s32 s15, s3;
	s3 =	simm.s32 $0x2  }
0x8: {  	[tilespmem:s2], [sflag:$0x2] =	stream.linear.gather [hbm4b:s4+s2], $0x800, $0x38;
	[tilespmem:$0x8800] =	vst v63  }
0x9: {  	_ =	swait.ge [sflag:s3], $0x800  }
0xa: {  	s6 =	simm.s32 $0x800;
	[sflag:s3] =	ssyncset.done $0x0  }
0xb: {  	s7 =	simm.s32 $0x1;
	s5 =	sadd.s32 $0x4AA00, s5;
	[sflag:s3] =	ssyncadd.s32 $0xFFFFF800  }
0xc: {  	[tilespmem:s6], [sflag:$0x1] =	stream.indirect.gather [hbm4b:s5+s6], $0x10, s2, s6, $0xb8;
	[tilespmem:$0x8800] =	vst v63  }
0xd: {  	s8 =	smul.u32 $0x5000, s8;
	_ =	swait.ge [sflag:s7], $0x8000  }
0xe: {  	[sflag:s7] =	ssyncset.done $0x0  }
0xf: {  	s8 =	sadd.s32 s16, s8;
	[sflag:s7] =	ssyncadd.s32 $0xFFFF8000  }
0x10: {  	[hbm4b:s8+s2] =	stream.linear.scatter [tilespmem:s6], [sflag:$0x2], $0x8000, $0x38;
	[tilespmem:$0x8800] =	vst v63  }
0x11: {  	s10 =	sadd.s32 $0x800, s18;
	_ =	swait.ge [sflag:s3], $0x8000  }
0x12: {  	s9 =	sshrl.u32 s10, $0x3;
	[sflag:s3] =	ssyncset.done $0x0  }
0x13: {  	s9 =	sadd.s32 s15, s9;
	[sflag:s3] =	ssyncadd.s32 $0xFFFF8000  }
0x14: {  	[tilespmem:s2], [sflag:$0x2] =	stream.linear.gather [hbm4b:s9+s2], $0x800, $0x38;
	[tilespmem:$0x8800] =	vst v63  }
0x15: {  	_ =	swait.ge [sflag:s3], $0x800  }
0x16: {  	[sflag:s3] =	ssyncset.done $0x0  }
0x17: {  	[sflag:s3] =	ssyncadd.s32 $0xFFFFF800  }
0x18: {  	[tilespmem:s6], [sflag:$0x1] =	stream.indirect.gather [hbm4b:s5+s6], $0x10, s2, s6, $0xb8;
	[tilespmem:$0x8800] =	vst v63  }
0x19: {  	_ =	swait.ge [sflag:s7], $0x8000  }
0x1a: {  	s10 =	sshll.u32 s10, $0x1;
	[sflag:s7] =	ssyncset.done $0x0  }
0x1b: {  	s10 =	sadd.s32 s16, s10;
	[sflag:s7] =	ssyncadd.s32 $0xFFFF8000  }
0x1c: {  	[hbm4b:s10+s2] =	stream.linear.scatter [tilespmem:s6], [sflag:$0x2], $0x8000, $0x38;
	[tilespmem:$0x8800] =	vst v63  }
0x1d: {  	s12 =	sadd.s32 $0x1000, s18;
	_ =	swait.ge [sflag:s3], $0x8000  }
0x1e: {  	s11 =	sshrl.u32 s12, $0x3;
	[sflag:s3] =	ssyncset.done $0x0  }
0x1f: {  	s11 =	sadd.s32 s15, s11;
	[sflag:s3] =	ssyncadd.s32 $0xFFFF8000  }
0x20: {  	[tilespmem:s2], [sflag:$0x2] =	stream.linear.gather [hbm4b:s11+s2], $0x800, $0x38;
	[tilespmem:$0x8800] =	vst v63  }
0x21: {  	_ =	swait.ge [sflag:s3], $0x800  }
0x22: {  	[sflag:s3] =	ssyncset.done $0x0  }
0x23: {  	[sflag:s3] =	ssyncadd.s32 $0xFFFFF800  }
0x24: {  	[tilespmem:s6], [sflag:$0x1] =	stream.indirect.gather [hbm4b:s5+s6], $0x10, s2, s6, $0xb8;
	[tilespmem:$0x8800] =	vst v63  }
0x25: {  	_ =	swait.ge [sflag:s7], $0x8000  }
0x26: {  	s12 =	sshll.u32 s12, $0x1;
	[sflag:s7] =	ssyncset.done $0x0  }
0x27: {  	s12 =	sadd.s32 s16, s12;
	[sflag:s7] =	ssyncadd.s32 $0xFFFF8000  }
0x28: {  	[hbm4b:s12+s2] =	stream.linear.scatter [tilespmem:s6], [sflag:$0x2], $0x8000, $0x38;
	[tilespmem:$0x8800] =	vst v63  }
0x29: {  	s14 =	sadd.s32 $0x1800, s18;
	_ =	swait.ge [sflag:s3], $0x8000  }
0x2a: {  	s13 =	sshrl.u32 s14, $0x3;
	[sflag:s3] =	ssyncset.done $0x0  }
0x2b: {  	s13 =	sadd.s32 s15, s13;
	[sflag:s3] =	ssyncadd.s32 $0xFFFF8000  }
0x2c: {  	[tilespmem:s2], [sflag:$0x2] =	stream.linear.gather [hbm4b:s13+s2], $0x800, $0x38;
	[tilespmem:$0x8800] =	vst v63  }
0x2d: {  	_ =	swait.ge [sflag:s3], $0x800  }
0x2e: {  	[sflag:s3] =	ssyncset.done $0x0  }
0x2f: {  	[sflag:s3] =	ssyncadd.s32 $0xFFFFF800  }
0x30: {  	[tilespmem:s6], [sflag:$0x1] =	stream.indirect.gather [hbm4b:s5+s6], $0x10, s2, s6, $0xb8;
	[tilespmem:$0x8800] =	vst v63  }
0x31: {  	_ =	swait.ge [sflag:s7], $0x8000  }
0x32: {  	s14 =	sshll.u32 s14, $0x1;
	[sflag:s7] =	ssyncset.done $0x0  }
0x33: {  	s14 =	sadd.s32 s16, s14;
	[sflag:s7] =	ssyncadd.s32 $0xFFFF8000  }
0x34: {  	[hbm4b:s14+s2] =	stream.linear.scatter [tilespmem:s6], [sflag:$0x2], $0x8000, $0x38;
	[tilespmem:$0x8800] =	vst v63  }
0x35: {  	s18 =	sadd.s32 $0x2000, s18;
	_ =	swait.ge [sflag:s3], $0x8000  }
0x36: {  	s19 =	sshrl.u32 s18, $0x3;
	[sflag:s3] =	ssyncset.done $0x0  }
0x37: {  	s17 =	ssub.s32 $0x2, s17;
	s15 =	sadd.s32 s15, s19;
	[sflag:s3] =	ssyncadd.s32 $0xFFFF8000  }
0x38: {  	[tilespmem:s2], [sflag:$0x2] =	stream.linear.gather [hbm4b:s15+s2], $0x800, $0x38;
	[tilespmem:$0x8800] =	vst v63  }
0x39: {  	s31 =	sshrl.u32 s17, $0x1;
	_ =	swait.ge [sflag:s3], $0x800  }
0x3a: {  	s17 =	ssub.s32 s17, s31;
	[sflag:s3] =	ssyncset.done $0x0  }
0x3b: {  	s17 =	smax.u32 s17, $0x1;
	[sflag:s3] =	ssyncadd.s32 $0xFFFFF800  }
0x3c: {  	[tilespmem:s6], [sflag:$0x1] =	stream.indirect.gather [hbm4b:s5+s6], $0x10, s2, s6, $0xb8;
	[tilespmem:$0x8800] =	vst v63  }
0x3d: {  	p0 =	sne.s32 s17, $0x1;
	_ =	swait.ge [sflag:s7], $0x8000  }
.Ltmp0:
0x3e: {  	s18 =	sshll.u32 s18, $0x1;
	[sflag:s7] =	ssyncset.done $0x0;
	(pc) =	sbr.rel @!p0 .LBB2_2-.Ltmp0, $4  }
0x3f: {  	s16 =	sadd.s32 s16, s18;
	[sflag:s7] =	ssyncadd.s32 $0xFFFF8000  }
0x40: {  	[hbm4b:s16+s2] =	stream.linear.scatter [tilespmem:s6], [sflag:$0x2], $0x8000, $0x38;
	[tilespmem:$0x8800] =	vst v63  }
0x41: {  	_ =	swait.ge [sflag:s3], $0x8000  }
0x42: {  	s17 =	sadd.s32 $0xFFFFFFFF, s17;
	[sflag:s3] =	ssyncset.done $0x0  }
.LBB2_1:
0x43: {  	p0 =	sne.s32 s17, $0x1;
	s17 =	sadd.s32 $0xFFFFFFFF, s17;
	[sflag:s3] =	ssyncadd.s32 $0xFFFF8000  }
0x44: {  	[tilespmem:s2], [sflag:$0x2] =	stream.linear.gather [hbm4b:s4+s2], $0x800, $0x38;
	[tilespmem:$0x8800] =	vst v63  }
0x45: {  	_ =	swait.ge [sflag:s3], $0x800  }
0x46: {  	[sflag:s3] =	ssyncset.done $0x0  }
0x47: {  	[sflag:s3] =	ssyncadd.s32 $0xFFFFF800  }
0x48: {  	[tilespmem:s6], [sflag:$0x1] =	stream.indirect.gather [hbm4b:s5+s6], $0x10, s2, s6, $0xb8;
	[tilespmem:$0x8800] =	vst v63  }
0x49: {  	_ =	swait.ge [sflag:s7], $0x8000  }
0x4a: {  	[sflag:s7] =	ssyncset.done $0x0  }
0x4b: {  	[sflag:s7] =	ssyncadd.s32 $0xFFFF8000  }
0x4c: {  	[hbm4b:s8+s2] =	stream.linear.scatter [tilespmem:s6], [sflag:$0x2], $0x8000, $0x38;
	[tilespmem:$0x8800] =	vst v63  }
0x4d: {  	_ =	swait.ge [sflag:s3], $0x8000  }
0x4e: {  	[sflag:s3] =	ssyncset.done $0x0  }
0x4f: {  	[sflag:s3] =	ssyncadd.s32 $0xFFFF8000  }
0x50: {  	[tilespmem:s2], [sflag:$0x2] =	stream.linear.gather [hbm4b:s9+s2], $0x800, $0x38;
	[tilespmem:$0x8800] =	vst v63  }
0x51: {  	_ =	swait.ge [sflag:s3], $0x800  }
0x52: {  	[sflag:s3] =	ssyncset.done $0x0  }
0x53: {  	[sflag:s3] =	ssyncadd.s32 $0xFFFFF800  }
0x54: {  	[tilespmem:s6], [sflag:$0x1] =	stream.indirect.gather [hbm4b:s5+s6], $0x10, s2, s6, $0xb8;
	[tilespmem:$0x8800] =	vst v63  }
0x55: {  	_ =	swait.ge [sflag:s7], $0x8000  }
0x56: {  	[sflag:s7] =	ssyncset.done $0x0  }
0x57: {  	[sflag:s7] =	ssyncadd.s32 $0xFFFF8000  }
0x58: {  	[hbm4b:s10+s2] =	stream.linear.scatter [tilespmem:s6], [sflag:$0x2], $0x8000, $0x38;
	[tilespmem:$0x8800] =	vst v63  }
0x59: {  	_ =	swait.ge [sflag:s3], $0x8000  }
0x5a: {  	[sflag:s3] =	ssyncset.done $0x0  }
0x5b: {  	[sflag:s3] =	ssyncadd.s32 $0xFFFF8000  }
0x5c: {  	[tilespmem:s2], [sflag:$0x2] =	stream.linear.gather [hbm4b:s11+s2], $0x800, $0x38;
	[tilespmem:$0x8800] =	vst v63  }
0x5d: {  	_ =	swait.ge [sflag:s3], $0x800  }
0x5e: {  	[sflag:s3] =	ssyncset.done $0x0  }
0x5f: {  	[sflag:s3] =	ssyncadd.s32 $0xFFFFF800  }
0x60: {  	[tilespmem:s6], [sflag:$0x1] =	stream.indirect.gather [hbm4b:s5+s6], $0x10, s2, s6, $0xb8;
	[tilespmem:$0x8800] =	vst v63  }
0x61: {  	_ =	swait.ge [sflag:s7], $0x8000  }
0x62: {  	[sflag:s7] =	ssyncset.done $0x0  }
0x63: {  	[sflag:s7] =	ssyncadd.s32 $0xFFFF8000  }
0x64: {  	[hbm4b:s12+s2] =	stream.linear.scatter [tilespmem:s6], [sflag:$0x2], $0x8000, $0x38;
	[tilespmem:$0x8800] =	vst v63  }
0x65: {  	_ =	swait.ge [sflag:s3], $0x8000  }
0x66: {  	[sflag:s3] =	ssyncset.done $0x0  }
0x67: {  	[sflag:s3] =	ssyncadd.s32 $0xFFFF8000  }
0x68: {  	[tilespmem:s2], [sflag:$0x2] =	stream.linear.gather [hbm4b:s13+s2], $0x800, $0x38;
	[tilespmem:$0x8800] =	vst v63  }
0x69: {  	_ =	swait.ge [sflag:s3], $0x800  }
0x6a: {  	[sflag:s3] =	ssyncset.done $0x0  }
0x6b: {  	[sflag:s3] =	ssyncadd.s32 $0xFFFFF800  }
0x6c: {  	[tilespmem:s6], [sflag:$0x1] =	stream.indirect.gather [hbm4b:s5+s6], $0x10, s2, s6, $0xb8;
	[tilespmem:$0x8800] =	vst v63  }
0x6d: {  	_ =	swait.ge [sflag:s7], $0x8000  }
0x6e: {  	[sflag:s7] =	ssyncset.done $0x0  }
0x6f: {  	[sflag:s7] =	ssyncadd.s32 $0xFFFF8000  }
0x70: {  	[hbm4b:s14+s2] =	stream.linear.scatter [tilespmem:s6], [sflag:$0x2], $0x8000, $0x38;
	[tilespmem:$0x8800] =	vst v63  }
0x71: {  	_ =	swait.ge [sflag:s3], $0x8000  }
0x72: {  	[sflag:s3] =	ssyncset.done $0x0  }
0x73: {  	[sflag:s3] =	ssyncadd.s32 $0xFFFF8000  }
0x74: {  	[tilespmem:s2], [sflag:$0x2] =	stream.linear.gather [hbm4b:s15+s2], $0x800, $0x38;
	[tilespmem:$0x8800] =	vst v63  }
0x75: {  	_ =	swait.ge [sflag:s3], $0x800  }
0x76: {  	[sflag:s3] =	ssyncset.done $0x0  }
0x77: {  	[sflag:s3] =	ssyncadd.s32 $0xFFFFF800  }
0x78: {  	[tilespmem:s6], [sflag:$0x1] =	stream.indirect.gather [hbm4b:s5+s6], $0x10, s2, s6, $0xb8;
	[tilespmem:$0x8800] =	vst v63  }
0x79: {  	_ =	swait.ge [sflag:s7], $0x8000  }
.Ltmp1:
0x7a: {  	[sflag:s7] =	ssyncset.done $0x0;
	(pc) =	sbr.rel @p0 .LBB2_1-.Ltmp1, $4  }
0x7b: {  	[sflag:s7] =	ssyncadd.s32 $0xFFFF8000  }
0x7c: {  	[hbm4b:s16+s2] =	stream.linear.scatter [tilespmem:s6], [sflag:$0x2], $0x8000, $0x38;
	[tilespmem:$0x8800] =	vst v63  }
0x7d: {  	_ =	swait.ge [sflag:s3], $0x8000  }
0x7e: {  	[sflag:s3] =	ssyncset.done $0x0  }
.LBB2_2:
0x7f: {  	[sflag:s3] =	ssyncadd.s32 $0xFFFF8000  }
0x80: {  	_ =	sfence.sel $0x180000  }
0x81: {  	[bflag:$0x0] =	sbarrier.arrive $0xFFFF  }
0x82: {  	p0 =	sne.s32 s0, $0x0;
	_ =	strace $0x9000004A  }
0x83: {  	s0 =	sadd.s32 @!p0 $0x100000, s1;
	[bflag:$0x2] =	sbarrier.arrive $0xFFFF  }
0x84: {  	[sflag:s0] =	ssyncadd.tile.s32 @!p0 $0x1;
	_ =	shalt  }
.Lfunc_end2:
_tile_overlayer_lowered:
.L_overlay_start_2:
0x85: {  	(tag) =	ssettag $0x2  }
0x86: {  	s0 =	rddreg [dreg:$0x0];
	s2 =	stileid.u32  }
0x87: {  	s1 =	rddreg [dreg:$0x1];
	p0 =	sne.s32 s2, $0x0  }
0x88: {  	s3 =	rddreg [dreg:$0x2];
	[bflag:$0x3] =	sbarrier.arrive $0xFFFF;
	s2 =	simm.s32 @!p0 $0x1C02  }
0x89: {  	[timem:s3], [sflag:s2] =	dma.local @!p0 [hbm:s0], s1  }
0x8a: {  	s0 =	simm.s32 @!p0 $0x2  }
0x8b: {  	_ =	swait.ge @!p0 [sflag:s0], s1  }
0x8c: {  	s1 =	ssub.s32 @!p0 $0x0, s1;
	[sflag:s0] =	ssyncset.done @!p0 $0x0  }
0x8d: {  	[sflag:s0] =	ssyncadd.s32 @!p0 s1  }
0x8e: {  	[bflag:$0x3] =	sbarrier.arrive $0xFFFF  }
0x8f: {  	_ =	shalt  }

// kernel: kernel.8.cloned.1.call-start
scs
__scs_entry_jumppad:
0x0: {  	(pc) =	sbr.rel $0x88, $3  }
0x1: {  	(tag) =	ssettag $0x0;
	lr =	simm.s32 $0x1  }
0x2: {  	[smem:$0x3F99] =	sst lr;
	_ =	strace $0xD0000000  }
0x3: {  	_ = 	snop  }
0x4: {  	_ = 	snop  }
0x5: {  	_ = 	snop  }
0x6: {  	_ = 	snop  }
0x7: {  	_ = 	snop  }
__scs_overlays_trampoline_lowered:
0x8: {  	[smem:$0x3FA8] =	sst s0  }
0x9: {  	[smem:$0x3FA9] =	sst s1  }
0xa: {  	[smem:$0x3FAA] =	sst s2  }
0xb: {  	[smem:$0x3FAB] =	sst s3  }
0xc: {  	[smem:$0x3FAC] =	sst s4  }
0xd: {  	[smem:$0x3FAD] =	sst s5  }
0xe: {  	[smem:$0x3FAE] =	sst s6  }
0xf: {  	[smem:$0x3FAF] =	sst s7  }
0x10: {  	[smem:$0x3FB0] =	sst s8  }
0x11: {  	[smem:$0x3FB1] =	sst s9;
	s0 =	simm.s32 @!p0 $0x0  }
0x12: {  	s1 =	sld [smem:$0x3F97];
	s0 =	simm.s32 @p0 $0x1  }
0x13: {  	[smem:$0x3FB2] =	sst s0;
	s0 =	simm.s32 @!p1 $0x0  }
0x14: {  	s2 =	sld [smem:$0x3F96];
	s0 =	simm.s32 @p1 $0x1  }
0x15: {  	[smem:$0x3FB3] =	sst s0;
	s0 =	simm.s32 @!p2 $0x0  }
0x16: {  	s3 =	sld [smem:$0x3FDB];
	s0 =	simm.s32 @p2 $0x1  }
0x17: {  	s4 =	simm.s32 $0x1BF5;
	[smem:$0x3FB5] =	sst s0  }
0x18: {  	s0 =	sld [smem:$0x3F98];
	_ =	swait.ge [sflag:s4], $0x0  }
0x19: {  	s7 =	sld [smem:$0x3F99]  }
0x1a: {  	s8 =	sadd.s32 $0xFFFFE003, lr  }
0x1b: {  	s9 =	sadd.s32 $0xFFFFFEF7, lr;
	s5 =	simm.s32 $0xFFFFFFFF;
	p2 =	slt.u32 s8, $0xFFFFF086  }
0x1c: {  	p1 =	slt.u32 s9, $0xF7A;
	s5 =	simm.s32 @!p2 $0x0  }
0x1d: {  	s5 =	simm.s32 @p1 $0x1;
	p0 =	seq.s32 s7, s2  }
0x1e: {  	s7 =	smul.u32 @!p0 $0xF7A, s2;
	p2 =	seq.s32 @!p0 s5, $0x0  }
0x1f: {  	s9 =	smul.u32 $0xF7A, s1;
	s8 =	simm.s32 @!p0 $0x1BF5;
	p2 =	por !p2, p0  }
0x20: {  	[sflag:s8] =	ssyncset.s32 @!p0 $0xFFFFF086;
	s6 =	sadd.s32 @!p0 s3, s7;
	s7 =	simm.s32 @!p0 $0x108  }
0x21: {  	s3 =	sadd.s32 s3, s9;
	s6 =	sadd.s32 @!p0 $0x88, s6;
	s7 =	simm.s32 @p2 $0x1082  }
0x22: {  	[simem:s7], [sflag:s8] =	dma.local @!p0 [hbm:s6], $0xF7A  }
0x23: {  	s9 =	sor.u32 $0xD0000000, s2;
	s6 =	simm.s32 $0x108;
	_ =	swait.ge @!p0 [sflag:s8], $0x0  }
0x24: {  	s3 =	sadd.s32 $0x88, s3;
	s6 =	simm.s32 @!p1 $0x1082;
	[sflag:s4] =	ssyncset.s32 $0xFFFFF086  }
0x25: {  	[simem:s6], [sflag:s4] =	dma.local [hbm:s3], $0xF7A  }
0x26: {  	[smem:$0x3F99] =	sst s1;
	(tag) =	ssettag s2;
	_ =	strace s9  }
0x27: {  	s1 =	sld [smem:$0x3FA9]  }
0x28: {  	s2 =	sld [smem:$0x3FAA]  }
0x29: {  	s4 =	sld [smem:$0x3FAC]  }
0x2a: {  	p0 =	seq.s32 s5, $0x0;
	s5 =	sld [smem:$0x3FAD]  }
0x2b: {  	s6 =	sld [smem:$0x3FAE]  }
0x2c: {  	s7 =	sld [smem:$0x3FAF]  }
0x2d: {  	s3 =	simm.s32 $0x108;
	s8 =	sld [smem:$0x3FB0]  }
0x2e: {  	s3 =	simm.s32 @!p0 $0x1082;
	s9 =	sld [smem:$0x3FB1]  }
0x2f: {  	lr =	sadd.s32 s0, s3;
	s0 =	sld [smem:$0x3FA8]  }
0x30: {  	s3 =	sld [smem:$0x3FAB]  }
0x31: {  	[smem:$0x3FB4] =	sst s10  }
0x32: {  	s10 =	sld [smem:$0x3FB2];
	_ =	sdelay $0x3  }
0x33: {  	p0 =	seq.s32 s10, $0x1;
	s10 =	sld [smem:$0x3FB4];
	_ =	sdelay $0x3  }
0x34: {  	[smem:$0x3FB4] =	sst s10  }
0x35: {  	s10 =	sld [smem:$0x3FB3];
	_ =	sdelay $0x3  }
0x36: {  	p1 =	seq.s32 s10, $0x1;
	s10 =	sld [smem:$0x3FB4];
	_ =	sdelay $0x3  }
0x37: {  	[smem:$0x3FB4] =	sst s10  }
0x38: {  	s10 =	sld [smem:$0x3FB5]  }
0x39: {  	_ = 	snop;
	(pc) =	sbr.ind lr, $3  }
0x3a: {  	_ = 	snop  }
0x3b: {  	_ = 	snop  }
0x3c: {  	p2 =	seq.s32 s10, $0x1;
	s10 =	sld [smem:$0x3FB4]  }
0x3d: {  	_ =	shalt  }
0x3e: {  	_ =	shalt  }
0x3f: {  	_ =	shalt  }
0x40: {  	_ =	shalt  }
0x41: {  	_ =	shalt  }
0x42: {  	_ =	shalt  }
0x43: {  	_ =	shalt  }
0x44: {  	_ =	shalt  }
0x45: {  	_ =	shalt  }
0x46: {  	_ =	shalt  }
0x47: {  	_ =	shalt  }
0x48: {  	_ =	shalt  }
0x49: {  	_ =	shalt  }
0x4a: {  	_ =	shalt  }
0x4b: {  	_ =	shalt  }
0x4c: {  	_ =	shalt  }
0x4d: {  	_ =	shalt  }
0x4e: {  	_ =	shalt  }
0x4f: {  	_ =	shalt  }
0x50: {  	_ =	shalt  }
0x51: {  	_ =	shalt  }
0x52: {  	_ =	shalt  }
0x53: {  	_ =	shalt  }
0x54: {  	_ =	shalt  }
0x55: {  	_ =	shalt  }
0x56: {  	_ =	shalt  }
0x57: {  	_ =	shalt  }
0x58: {  	_ =	shalt  }
0x59: {  	_ =	shalt  }
0x5a: {  	_ =	shalt  }
0x5b: {  	_ =	shalt  }
0x5c: {  	_ =	shalt  }
0x5d: {  	_ =	shalt  }
0x5e: {  	_ =	shalt  }
0x5f: {  	_ =	shalt  }
0x60: {  	_ =	shalt  }
0x61: {  	_ =	shalt  }
0x62: {  	_ =	shalt  }
0x63: {  	_ =	shalt  }
0x64: {  	_ =	shalt  }
0x65: {  	_ =	shalt  }
0x66: {  	_ =	shalt  }
0x67: {  	_ =	shalt  }
0x68: {  	_ =	shalt  }
0x69: {  	_ =	shalt  }
0x6a: {  	_ =	shalt  }
0x6b: {  	_ =	shalt  }
0x6c: {  	_ =	shalt  }
0x6d: {  	_ =	shalt  }
0x6e: {  	_ =	shalt  }
0x6f: {  	_ =	shalt  }
0x70: {  	_ =	shalt  }
0x71: {  	_ =	shalt  }
0x72: {  	_ =	shalt  }
0x73: {  	_ =	shalt  }
0x74: {  	_ =	shalt  }
0x75: {  	_ =	shalt  }
0x76: {  	_ =	shalt  }
0x77: {  	_ =	shalt  }
0x78: {  	_ =	shalt  }
0x79: {  	_ =	shalt  }
0x7a: {  	_ =	shalt  }
0x7b: {  	_ =	shalt  }
0x7c: {  	_ =	shalt  }
0x7d: {  	_ =	shalt  }
0x7e: {  	_ =	shalt  }
0x7f: {  	_ =	shalt  }
0x80: {  	_ =	shalt  }
0x81: {  	_ =	shalt  }
0x82: {  	_ =	shalt  }
0x83: {  	_ =	shalt  }
0x84: {  	_ =	shalt  }
0x85: {  	_ =	shalt  }
0x86: {  	_ =	shalt  }
0x87: {  	_ =	shalt  }
.Lfunc_end0:
.L_simem_size_0:
called_computation.3_lowered:
.L_overlay_start_0:
0x88: {  	s2 =	sld [smem:$0x3FD9]  }
0x89: {  	s3 =	sld [smem:$0x3FFE];
	_ =	sdelay $0x1  }
0x8a: {  	s1 =	srdreg.scid  }
0x8b: {  	s0 =	sand.u32 $0x1, s1  }
0x8c: {  	s17 =	sshll.u32 s0, $0xA;
	s2 =	sadd.s32 s3, s2  }
0x8d: {  	s2 =	sadd.s32 s2, s17  }
0x8e: {  	[smem:$0x3FC0] =	sst s2  }
0x8f: {  	_ = 	snop  }
0x90: {  	s2 =	sld [smem:$0x3FD0];
	(tm) =	ssettm $0x1  }
0x91: {  	s18 =	sld [smem:$0x3FFB];
	_ =	sdelay $0x3  }
0x92: {  	_ =	strace s18  }
0x93: {  	s3 =	sld [smem:$0x3FFC];
	_ =	sdelay $0x3  }
0x94: {  	_ =	strace s3  }
0x95: {  	s3 =	sld [smem:$0x3FFD];
	_ =	sdelay $0x3  }
0x96: {  	_ =	strace s3  }
0x97: {  	_ =	strace $0x8FFFFFFF  }
0x98: {  	s19 =	sld [smem:$0x3FDB];
	_ =	sdelay $0x1  }
0x99: {  	s4 =	simm.s32 $_scs_section_size  }
0x9a: {  	s5 =	simm.s32 $_size__tile_overlayer_lowered;
	s6 =	simm.s32 $_tile_overlayer_lowered  }
0x9b: {  	s22 =	simm.s32 $0x1BFF;
	s21 =	sshll.u32 s6, $0x1;
	s3 =	sadd.s32 s4, s19  }
0x9c: {  	s7 =	simm.s32 $0x0;
	s20 =	sshll.u32 s5, $0x1;
	s5 =	sadd.s32 s21, s3  }
0x9d: {  	[timem:s7], [sflag:s22] =	dma.local [hbm:s5], s20  }
0x9e: {  	_ =	swait.ge [sflag:s22], s20  }
0x9f: {  	s4 =	ssub.s32 $0x0, s20;
	[sflag:s22] =	ssyncset.done $0x0  }
0xa0: {  	[sflag:s22] =	ssyncadd.s32 s4;
	_ =	sdelay $0x1  }
0xa1: {  	s23 =	simm.s32 $0x1B8B  }
0xa2: {  	_ =	swait.ge [sflag:s23], $0x1  }
0xa3: {  	[sflag:s23] =	ssyncset.done $0x0  }
0xa4: {  	s25 =	simm.s32 $0x1B8E;
	s24 =	sld [smem:$0x3FFE];
	[sflag:s23] =	ssyncadd.s32 $0xFFFFFFFF  }
0xa5: {  	s26 =	simm.s32 $execute0_lowered;
	[smem:$0x3FD2] =	sst s25  }
0xa6: {  	s5 =	sshll.u32 s26, $0x1;
	_ =	strace $0x8000004C;
	[dreg:$0x1] =	wrdreg $0xFFFFFFFF  }
0xa7: {  	s28 =	simm.s32 $_size_execute0_lowered;
	s3 =	sadd.s32 s3, s5;
	[dreg:$0x0] =	wrdreg $0x0  }
0xa8: {  	s5 =	sshll.u32 s28, $0x1;
	[dreg:$0x2] =	wrdreg s3  }
0xa9: {  	[dreg:$0x3] =	wrdreg s5  }
0xaa: {  	[dreg:$0x4] =	wrdreg $0xC0  }
0xab: {  	_ =	task [dreg:s7], $0x5FFFF  }
0xac: {  	[dreg:$0x1] =	wrdreg $0xFFFFFFFF  }
0xad: {  	[dreg:$0x0] =	wrdreg $0x60  }
0xae: {  	[dreg:$0x2] =	wrdreg s2  }
0xaf: {  	[dreg:$0x3] =	wrdreg s24  }
0xb0: {  	[dreg:$0x4] =	wrdreg $0x9  }
0xb1: {  	_ =	task.clear_ibuf [dreg:s7], $0x5FFFF;
	_ =	strace $0x9000004C  }
0xb2: {  	s29 =	simm.s32 $0x9;
	_ =	strace $0x8000004E  }
0xb3: {  	_ =	swait.ge [sflag:s29], $0x1  }
0xb4: {  	[sflag:s29] =	ssyncadd.s32 $0xFFFFFFFF  }
0xb5: {  	_ =	strace $0x9000004E  }
0xb6: {  	_ =	sfence  }
0xb7: {  	s30 =	sld [smem:$0x0];
	_ =	sdelay $0x2  }
0xb8: {  	s31 =	sshll.u32 s1, $0xD;
	s1 =	sshrl.u32 s1, $0x2  }
0xb9: {  	s3 =	sand.u32 $0x4000, s31;
	s1 =	sadd.s32 s1, s30  }
0xba: {  	s0 =	sor.u32 s3, s0;
	s1 =	sshll.u32 s1, $0x11  }
0xbb: {  	s0 =	sor.u32 s1, s0  }
0xbc: {  	s0 =	sadd.s32 $0x8F2B, s0  }
0xbd: {  	[sflag:s0] =	ssyncadd.remote.s32 $0x1  }
0xbe: {  	_ =	sfence.sel $0xFFFF  }
0xbf: {  	[dreg:$0x0] =	wrdreg $0xFFFFFFFF;
	(pc) =	sbr.abs _section_cstart, $3  }
0xc0: {  	[dreg:$0x1] =	wrdreg $0xFFFFFFFF  }
0xc1: {  	_ =	task.clear_ibuf [dreg:s7], $0x2FFFF;
	_ =	strace $0x9FFFFFFF  }
0xc2: {  	(tm) =	ssettm $0x7FFFFFFF  }
0xc3: {  	_ =	shalt  }
tec
execute0_lowered:
.L_overlay_start_1:
0x0: {  	(tag) =	ssettag $0x1  }
0x1: {  	s1 =	rddreg [dreg:$0x0]  }
0x2: {  	s4 =	rddreg [dreg:$0x1]  }
0x3: {  	s0 =	rddreg [dreg:$0x2];
	s5 =	srdreg.scid  }
0x4: {  	s3 =	simm.s32 $0x0;
	s2 =	stileid.u32;
	s10 =	simm.s32 $0x0  }
0x5: {  	s5 =	sand.u32 $0x1, s5;
	[smem:$0x7FF] =	sst s3;
	s6 =	sshll.u32 s2, $0x11  }
0x6: {  	s8 =	sshll.u32 s2, $0x12;
	s7 =	sshll.u32 s5, $0x10;
	_ =	strace $0x8000004D  }
0x7: {  	s31 =	ssub.s32 $0x2, s5;
	s8 =	sadd.s32 s8, s4;
	s5 =	sshll.u32 s5, $0x11  }
0x8: {  	s6 =	sor.u32 s7, s6;
	s9 =	sshrl.u32 s31, $0x1;
	s5 =	sadd.s32 s5, s8  }
0x9: {  	s8 =	simm.s32 $0x1000;
	s6 =	sshrl.u32 s6, $0x3;
	s7 =	ssub.s32 s31, s9  }
0xa: {  	s5 =	sadd.s32 $0x10AA00, s5;
	s9 =	simm.s32 $0x1;
	s6 =	sadd.s32 s6, s4  }
0xb: {  	s4 =	smax.u32 s7, $0x1;
	s7 =	simm.s32 $0x2;
	s6 =	sadd.s32 $0xCAA00, s6  }
.LBB2_1:
0xc: {  	s11 =	sadd.s32 $0x0, s6  }
0xd: {  	[tilespmem:s3], [sflag:$0x2] =	stream.linear.gather [hbm4b:s11+s3], $0x1000, $0x38;
	[tilespmem:$0x11000] =	vst v63  }
0xe: {  	_ =	swait.ge [sflag:s7], $0x1000  }
0xf: {  	[sflag:s7] =	ssyncset.done $0x0  }
0x10: {  	[sflag:s7] =	ssyncadd.s32 $0xFFFFF000  }
0x11: {  	[tilespmem:s8], [sflag:$0x1] =	stream.indirect.gather [hbm4b:s1+s8], $0x10, s3, s8, $0xb8;
	[tilespmem:$0x11000] =	vst v63  }
0x12: {  	_ =	swait.ge [sflag:s9], $0x10000  }
0x13: {  	[sflag:s9] =	ssyncset.done $0x0  }
0x14: {  	[sflag:s9] =	ssyncadd.s32 $0xFFFF0000  }
0x15: {  	[hbm4b:s5+s3] =	stream.linear.scatter [tilespmem:s8], [sflag:$0x2], $0x10000, $0x38;
	[tilespmem:$0x11000] =	vst v63  }
0x16: {  	s12 =	simm.s32 $0x200;
	_ =	swait.ge [sflag:s7], $0x10000  }
0x17: {  	s13 =	simm.s32 $0x400;
	s11 =	sadd.s32 $0x2000, s5;
	[sflag:s7] =	ssyncset.done $0x0  }
.LBB2_2:
0x18: {  	s14 =	sadd.s32 s12, s6  }
0x19: {  	[sflag:s7] =	ssyncadd.s32 $0xFFFF0000;
	s12 =	smov.u32 s13;
	s15 =	sadd.s32 $0x200, s13  }
0x1a: {  	[tilespmem:s3], [sflag:$0x2] =	stream.linear.gather [hbm4b:s14+s3], $0x1000, $0x38;
	[tilespmem:$0x11000] =	vst v63  }
0x1b: {  	p0 =	sne.s32 s13, $0x1E00;
	_ =	swait.ge [sflag:s7], $0x1000  }
0x1c: {  	[sflag:s7] =	ssyncset.done $0x0  }
0x1d: {  	[sflag:s7] =	ssyncadd.s32 $0xFFFFF000  }
0x1e: {  	[tilespmem:s8], [sflag:$0x1] =	stream.indirect.gather [hbm4b:s1+s8], $0x10, s3, s8, $0xb8;
	[tilespmem:$0x11000] =	vst v63  }
0x1f: {  	_ =	swait.ge [sflag:s9], $0x10000  }
.Ltmp0:
0x20: {  	[sflag:s9] =	ssyncset.done $0x0;
	(pc) =	sbr.rel @p0 .LBB2_2-.Ltmp0, $4  }
0x21: {  	[sflag:s9] =	ssyncadd.s32 $0xFFFF0000  }
0x22: {  	[hbm4b:s11+s3] =	stream.linear.scatter [tilespmem:s8], [sflag:$0x2], $0x10000, $0x38;
	[tilespmem:$0x11000] =	vst v63  }
0x23: {  	_ =	swait.ge [sflag:s7], $0x10000  }
0x24: {  	s13 =	smov.u32 s15;
	s11 =	sadd.s32 $0x2000, s11;
	[sflag:s7] =	ssyncset.done $0x0  }
0x25: {  	s12 =	sadd.s32 s12, s6;
	[sflag:s7] =	ssyncadd.s32 $0xFFFF0000  }
0x26: {  	[tilespmem:s3], [sflag:$0x2] =	stream.linear.gather [hbm4b:s12+s3], $0x1000, $0x38;
	[tilespmem:$0x11000] =	vst v63  }
0x27: {  	_ =	swait.ge [sflag:s7], $0x1000  }
0x28: {  	[sflag:s7] =	ssyncset.done $0x0  }
0x29: {  	[sflag:s7] =	ssyncadd.s32 $0xFFFFF000  }
0x2a: {  	[tilespmem:s8], [sflag:$0x1] =	stream.indirect.gather [hbm4b:s1+s8], $0x10, s3, s8, $0xb8;
	[tilespmem:$0x11000] =	vst v63  }
0x2b: {  	s10 =	sadd.s32 $0x1, s10;
	_ =	swait.ge [sflag:s9], $0x10000  }
0x2c: {  	p0 =	sne.s32 s10, s4;
	[sflag:s9] =	ssyncset.done $0x0  }
.Ltmp1:
0x2d: {  	[sflag:s9] =	ssyncadd.s32 $0xFFFF0000;
	(pc) =	sbr.rel @p0 .LBB2_1-.Ltmp1, $4  }
0x2e: {  	[hbm4b:s11+s3] =	stream.linear.scatter [tilespmem:s8], [sflag:$0x2], $0x10000, $0x38;
	[tilespmem:$0x11000] =	vst v63  }
0x2f: {  	_ =	swait.ge [sflag:s7], $0x10000  }
0x30: {  	[sflag:s7] =	ssyncset.done $0x0  }
0x31: {  	[sflag:s7] =	ssyncadd.s32 $0xFFFF0000  }
0x32: {  	_ =	sfence.sel $0x180000  }
0x33: {  	[bflag:$0x0] =	sbarrier.arrive $0xFFFF  }
0x34: {  	p0 =	sne.s32 s2, $0x0;
	_ =	strace $0x9000004D  }
0x35: {  	s0 =	sadd.s32 @!p0 $0x100000, s0;
	[bflag:$0x2] =	sbarrier.arrive $0xFFFF  }
0x36: {  	[sflag:s0] =	ssyncadd.tile.s32 @!p0 $0x1;
	_ =	shalt  }
.Lfunc_end2:
_tile_overlayer_lowered:
.L_overlay_start_2:
0x37: {  	(tag) =	ssettag $0x2  }
0x38: {  	s0 =	rddreg [dreg:$0x0];
	s2 =	stileid.u32  }
0x39: {  	s1 =	rddreg [dreg:$0x1];
	p0 =	sne.s32 s2, $0x0  }
0x3a: {  	s3 =	rddreg [dreg:$0x2];
	[bflag:$0x3] =	sbarrier.arrive $0xFFFF;
	s2 =	simm.s32 @!p0 $0x1C02  }
0x3b: {  	[timem:s3], [sflag:s2] =	dma.local @!p0 [hbm:s0], s1  }
0x3c: {  	s0 =	simm.s32 @!p0 $0x2  }
0x3d: {  	_ =	swait.ge @!p0 [sflag:s0], s1  }
0x3e: {  	s1 =	ssub.s32 @!p0 $0x0, s1;
	[sflag:s0] =	ssyncset.done @!p0 $0x0  }
0x3f: {  	[sflag:s0] =	ssyncadd.s32 @!p0 s1  }
0x40: {  	[bflag:$0x3] =	sbarrier.arrive $0xFFFF  }
0x41: {  	_ =	shalt  }

// kernel: scatter_offload_async_start
scs
__scs_entry_jumppad:
0x0: {  	(pc) =	sbr.rel $0x88, $3  }
0x1: {  	(tag) =	ssettag $0x0;
	lr =	simm.s32 $0x1  }
0x2: {  	[smem:$0x3F99] =	sst lr;
	_ =	strace $0xD0000000  }
0x3: {  	_ = 	snop  }
0x4: {  	_ = 	snop  }
0x5: {  	_ = 	snop  }
0x6: {  	_ = 	snop  }
0x7: {  	_ = 	snop  }
__scs_overlays_trampoline_lowered:
0x8: {  	[smem:$0x3FA8] =	sst s0  }
0x9: {  	[smem:$0x3FA9] =	sst s1  }
0xa: {  	[smem:$0x3FAA] =	sst s2  }
0xb: {  	[smem:$0x3FAB] =	sst s3  }
0xc: {  	[smem:$0x3FAC] =	sst s4  }
0xd: {  	[smem:$0x3FAD] =	sst s5  }
0xe: {  	[smem:$0x3FAE] =	sst s6  }
0xf: {  	[smem:$0x3FAF] =	sst s7  }
0x10: {  	[smem:$0x3FB0] =	sst s8  }
0x11: {  	[smem:$0x3FB1] =	sst s9;
	s0 =	simm.s32 @!p0 $0x0  }
0x12: {  	s1 =	sld [smem:$0x3F97];
	s0 =	simm.s32 @p0 $0x1  }
0x13: {  	[smem:$0x3FB2] =	sst s0;
	s0 =	simm.s32 @!p1 $0x0  }
0x14: {  	s2 =	sld [smem:$0x3F96];
	s0 =	simm.s32 @p1 $0x1  }
0x15: {  	[smem:$0x3FB3] =	sst s0;
	s0 =	simm.s32 @!p2 $0x0  }
0x16: {  	s3 =	sld [smem:$0x3FDB];
	s0 =	simm.s32 @p2 $0x1  }
0x17: {  	s4 =	simm.s32 $0x1BF5;
	[smem:$0x3FB5] =	sst s0  }
0x18: {  	s0 =	sld [smem:$0x3F98];
	_ =	swait.ge [sflag:s4], $0x0  }
0x19: {  	s7 =	sld [smem:$0x3F99]  }
0x1a: {  	s8 =	sadd.s32 $0xFFFFE003, lr  }
0x1b: {  	s9 =	sadd.s32 $0xFFFFFEF7, lr;
	s5 =	simm.s32 $0xFFFFFFFF;
	p2 =	slt.u32 s8, $0xFFFFF086  }
0x1c: {  	p1 =	slt.u32 s9, $0xF7A;
	s5 =	simm.s32 @!p2 $0x0  }
0x1d: {  	s5 =	simm.s32 @p1 $0x1;
	p0 =	seq.s32 s7, s2  }
0x1e: {  	s7 =	smul.u32 @!p0 $0xF7A, s2;
	p2 =	seq.s32 @!p0 s5, $0x0  }
0x1f: {  	s9 =	smul.u32 $0xF7A, s1;
	s8 =	simm.s32 @!p0 $0x1BF5;
	p2 =	por !p2, p0  }
0x20: {  	[sflag:s8] =	ssyncset.s32 @!p0 $0xFFFFF086;
	s6 =	sadd.s32 @!p0 s3, s7;
	s7 =	simm.s32 @!p0 $0x108  }
0x21: {  	s3 =	sadd.s32 s3, s9;
	s6 =	sadd.s32 @!p0 $0x88, s6;
	s7 =	simm.s32 @p2 $0x1082  }
0x22: {  	[simem:s7], [sflag:s8] =	dma.local @!p0 [hbm:s6], $0xF7A  }
0x23: {  	s9 =	sor.u32 $0xD0000000, s2;
	s6 =	simm.s32 $0x108;
	_ =	swait.ge @!p0 [sflag:s8], $0x0  }
0x24: {  	s3 =	sadd.s32 $0x88, s3;
	s6 =	simm.s32 @!p1 $0x1082;
	[sflag:s4] =	ssyncset.s32 $0xFFFFF086  }
0x25: {  	[simem:s6], [sflag:s4] =	dma.local [hbm:s3], $0xF7A  }
0x26: {  	[smem:$0x3F99] =	sst s1;
	(tag) =	ssettag s2;
	_ =	strace s9  }
0x27: {  	s1 =	sld [smem:$0x3FA9]  }
0x28: {  	s2 =	sld [smem:$0x3FAA]  }
0x29: {  	s4 =	sld [smem:$0x3FAC]  }
0x2a: {  	p0 =	seq.s32 s5, $0x0;
	s5 =	sld [smem:$0x3FAD]  }
0x2b: {  	s6 =	sld [smem:$0x3FAE]  }
0x2c: {  	s7 =	sld [smem:$0x3FAF]  }
0x2d: {  	s3 =	simm.s32 $0x108;
	s8 =	sld [smem:$0x3FB0]  }
0x2e: {  	s3 =	simm.s32 @!p0 $0x1082;
	s9 =	sld [smem:$0x3FB1]  }
0x2f: {  	lr =	sadd.s32 s0, s3;
	s0 =	sld [smem:$0x3FA8]  }
0x30: {  	s3 =	sld [smem:$0x3FAB]  }
0x31: {  	[smem:$0x3FB4] =	sst s10  }
0x32: {  	s10 =	sld [smem:$0x3FB2];
	_ =	sdelay $0x3  }
0x33: {  	p0 =	seq.s32 s10, $0x1;
	s10 =	sld [smem:$0x3FB4];
	_ =	sdelay $0x3  }
0x34: {  	[smem:$0x3FB4] =	sst s10  }
0x35: {  	s10 =	sld [smem:$0x3FB3];
	_ =	sdelay $0x3  }
0x36: {  	p1 =	seq.s32 s10, $0x1;
	s10 =	sld [smem:$0x3FB4];
	_ =	sdelay $0x3  }
0x37: {  	[smem:$0x3FB4] =	sst s10  }
0x38: {  	s10 =	sld [smem:$0x3FB5]  }
0x39: {  	_ = 	snop;
	(pc) =	sbr.ind lr, $3  }
0x3a: {  	_ = 	snop  }
0x3b: {  	_ = 	snop  }
0x3c: {  	p2 =	seq.s32 s10, $0x1;
	s10 =	sld [smem:$0x3FB4]  }
0x3d: {  	_ =	shalt  }
0x3e: {  	_ =	shalt  }
0x3f: {  	_ =	shalt  }
0x40: {  	_ =	shalt  }
0x41: {  	_ =	shalt  }
0x42: {  	_ =	shalt  }
0x43: {  	_ =	shalt  }
0x44: {  	_ =	shalt  }
0x45: {  	_ =	shalt  }
0x46: {  	_ =	shalt  }
0x47: {  	_ =	shalt  }
0x48: {  	_ =	shalt  }
0x49: {  	_ =	shalt  }
0x4a: {  	_ =	shalt  }
0x4b: {  	_ =	shalt  }
0x4c: {  	_ =	shalt  }
0x4d: {  	_ =	shalt  }
0x4e: {  	_ =	shalt  }
0x4f: {  	_ =	shalt  }
0x50: {  	_ =	shalt  }
0x51: {  	_ =	shalt  }
0x52: {  	_ =	shalt  }
0x53: {  	_ =	shalt  }
0x54: {  	_ =	shalt  }
0x55: {  	_ =	shalt  }
0x56: {  	_ =	shalt  }
0x57: {  	_ =	shalt  }
0x58: {  	_ =	shalt  }
0x59: {  	_ =	shalt  }
0x5a: {  	_ =	shalt  }
0x5b: {  	_ =	shalt  }
0x5c: {  	_ =	shalt  }
0x5d: {  	_ =	shalt  }
0x5e: {  	_ =	shalt  }
0x5f: {  	_ =	shalt  }
0x60: {  	_ =	shalt  }
0x61: {  	_ =	shalt  }
0x62: {  	_ =	shalt  }
0x63: {  	_ =	shalt  }
0x64: {  	_ =	shalt  }
0x65: {  	_ =	shalt  }
0x66: {  	_ =	shalt  }
0x67: {  	_ =	shalt  }
0x68: {  	_ =	shalt  }
0x69: {  	_ =	shalt  }
0x6a: {  	_ =	shalt  }
0x6b: {  	_ =	shalt  }
0x6c: {  	_ =	shalt  }
0x6d: {  	_ =	shalt  }
0x6e: {  	_ =	shalt  }
0x6f: {  	_ =	shalt  }
0x70: {  	_ =	shalt  }
0x71: {  	_ =	shalt  }
0x72: {  	_ =	shalt  }
0x73: {  	_ =	shalt  }
0x74: {  	_ =	shalt  }
0x75: {  	_ =	shalt  }
0x76: {  	_ =	shalt  }
0x77: {  	_ =	shalt  }
0x78: {  	_ =	shalt  }
0x79: {  	_ =	shalt  }
0x7a: {  	_ =	shalt  }
0x7b: {  	_ =	shalt  }
0x7c: {  	_ =	shalt  }
0x7d: {  	_ =	shalt  }
0x7e: {  	_ =	shalt  }
0x7f: {  	_ =	shalt  }
0x80: {  	_ =	shalt  }
0x81: {  	_ =	shalt  }
0x82: {  	_ =	shalt  }
0x83: {  	_ =	shalt  }
0x84: {  	_ =	shalt  }
0x85: {  	_ =	shalt  }
0x86: {  	_ =	shalt  }
0x87: {  	_ =	shalt  }
.Lfunc_end0:
.L_simem_size_0:
called_computation_lowered:
.L_overlay_start_0:
0x88: {  	s0 =	sld [smem:$0x3FD9]  }
0x89: {  	s1 =	sld [smem:$0x3FFE];
	_ =	sdelay $0x3  }
0x8a: {  	s0 =	sadd.s32 s1, s0  }
0x8b: {  	[smem:$0x3FC0] =	sst s0  }
0x8c: {  	_ = 	snop  }
0x8d: {  	s0 =	sld [smem:$0x3FD0];
	(tm) =	ssettm $0x1  }
0x8e: {  	s16 =	sld [smem:$0x3FFB];
	_ =	sdelay $0x3  }
0x8f: {  	_ =	strace s16  }
0x90: {  	s1 =	sld [smem:$0x3FFC];
	_ =	sdelay $0x3  }
0x91: {  	_ =	strace s1  }
0x92: {  	s1 =	sld [smem:$0x3FFD];
	_ =	sdelay $0x3  }
0x93: {  	_ =	strace s1  }
0x94: {  	_ =	strace $0x8FFFFFFF  }
0x95: {  	s17 =	sld [smem:$0x3FDB];
	_ =	sdelay $0x1  }
0x96: {  	s2 =	simm.s32 $_scs_section_size  }
0x97: {  	s3 =	simm.s32 $_size__tile_overlayer_lowered;
	s4 =	simm.s32 $_tile_overlayer_lowered  }
0x98: {  	s20 =	simm.s32 $0x1BFF;
	s19 =	sshll.u32 s4, $0x1;
	s1 =	sadd.s32 s2, s17  }
0x99: {  	s5 =	simm.s32 $0x0;
	s18 =	sshll.u32 s3, $0x1;
	s3 =	sadd.s32 s19, s1  }
0x9a: {  	[timem:s5], [sflag:s20] =	dma.local [hbm:s3], s18  }
0x9b: {  	_ =	swait.ge [sflag:s20], s18  }
0x9c: {  	s2 =	ssub.s32 $0x0, s18;
	[sflag:s20] =	ssyncset.done $0x0  }
0x9d: {  	[sflag:s20] =	ssyncadd.s32 s2;
	_ =	sdelay $0x1  }
0x9e: {  	s21 =	simm.s32 $0x1B8B  }
0x9f: {  	_ =	swait.ge [sflag:s21], $0x1  }
0xa0: {  	[sflag:s21] =	ssyncset.done $0x0  }
0xa1: {  	s23 =	simm.s32 $0x1B8E;
	s22 =	sld [smem:$0x3FFE];
	[sflag:s21] =	ssyncadd.s32 $0xFFFFFFFF  }
0xa2: {  	s24 =	simm.s32 $execute0_lowered;
	[smem:$0x3FD2] =	sst s23  }
0xa3: {  	s3 =	sshll.u32 s24, $0x1;
	_ =	strace $0x80000046;
	[dreg:$0x1] =	wrdreg $0xFFFFFFFF  }
0xa4: {  	s25 =	simm.s32 $_size_execute0_lowered;
	s1 =	sadd.s32 s1, s3;
	[dreg:$0x0] =	wrdreg $0x0  }
0xa5: {  	s3 =	sshll.u32 s25, $0x1;
	[dreg:$0x2] =	wrdreg s1  }
0xa6: {  	[dreg:$0x3] =	wrdreg s3  }
0xa7: {  	[dreg:$0x4] =	wrdreg $0xC0  }
0xa8: {  	_ =	task [dreg:s5], $0x5FFFF  }
0xa9: {  	[dreg:$0x1] =	wrdreg $0xFFFFFFFF  }
0xaa: {  	[dreg:$0x0] =	wrdreg $0x60  }
0xab: {  	[dreg:$0x2] =	wrdreg s22  }
0xac: {  	[dreg:$0x3] =	wrdreg s0  }
0xad: {  	[dreg:$0x4] =	wrdreg $0x9  }
0xae: {  	_ =	task.clear_ibuf [dreg:s5], $0x5FFFF;
	_ =	strace $0x90000046  }
0xaf: {  	s26 =	simm.s32 $0x9;
	_ =	strace $0x80000048  }
0xb0: {  	_ =	swait.ge [sflag:s26], $0x1  }
0xb1: {  	[sflag:s26] =	ssyncadd.s32 $0xFFFFFFFF  }
0xb2: {  	_ =	strace $0x90000048  }
0xb3: {  	_ =	sfence  }
0xb4: {  	s28 =	sld [smem:$0x0];
	_ =	sdelay $0x1  }
0xb5: {  	s29 =	srdreg.scid  }
0xb6: {  	s30 =	sshll.u32 s29, $0xD;
	s31 =	sshrl.u32 s29, $0x2  }
0xb7: {  	s2 =	sand.u32 $0x4000, s30;
	s1 =	sand.u32 $0x1, s29;
	s0 =	sadd.s32 s31, s28  }
0xb8: {  	s1 =	sor.u32 s2, s1;
	s0 =	sshll.u32 s0, $0x11  }
0xb9: {  	s0 =	sor.u32 s0, s1  }
0xba: {  	s0 =	sadd.s32 $0x8F2B, s0  }
0xbb: {  	[sflag:s0] =	ssyncadd.remote.s32 $0x1  }
0xbc: {  	_ =	sfence.sel $0xFFFF  }
0xbd: {  	[dreg:$0x0] =	wrdreg $0xFFFFFFFF;
	(pc) =	sbr.abs _section_cstart, $3  }
0xbe: {  	[dreg:$0x1] =	wrdreg $0xFFFFFFFF  }
0xbf: {  	_ =	task.clear_ibuf [dreg:s5], $0x2FFFF;
	_ =	strace $0x9FFFFFFF  }
0xc0: {  	(tm) =	ssettm $0x7FFFFFFF  }
0xc1: {  	_ =	shalt  }
tec
execute0_lowered:
.L_overlay_start_1:
0x0: {  	(tag) =	ssettag $0x1  }
0x1: {  	s0 =	rddreg [dreg:$0x0]  }
0x2: {  	s2 =	rddreg [dreg:$0x1];
	_ =	strace $0x80000047;
	s3 =	simm.s32 $0x1  }
0x3: {  	v1 =	vimm.s32 $0xFFFFFFFF;
	[sflag:s3] =	ssyncpa.u1 $0x0  }
0x4: {  	[tilespmem:$0x10] =	vst v1  }
0x5: {  	v0 =	vimm.s32 $0x80000000;
	[tilespmem:$0x20] =	vst v1  }
0x6: {  	[tilespmem:$0x30] =	vst v0  }
0x7: {  	[tilespmem:$0x40] =	vst v0  }
0x8: {  	s30 =	simm.s32 $0x2;
	s4 =	stileid.u32;
	[tilespmem:$0x50] =	vst v0  }
0x9: {  	s6 =	simm.s32 $0x7;
	s8 =	simm.s32 $0x8;
	s31 =	simm.s32 $0x9;
	[tilespmem:$0x60] =	vst v1  }
0xa: {  	s14 =	simm.s32 $0x0;
	s15 =	simm.s32 $0xFFFFE000;
	s16 =	simm.s32 $0xFF;
	[tilespmem:$0x70] =	vst v1  }
0xb: {  	p0 =	por $0x0, $0x0;
	s17 =	simm.s32 $0xFFFFC100;
	s18 =	simm.s32 $0xFFFFFFFE;
	[tilespmem:$0x80] =	vst v1  }
0xc: {  	s19 =	simm.s32 $0xF;
	s20 =	simm.s32 $0x30;
	s23 =	simm.s32 $0x0;
	v1 =	vimm.s32 $0x0;
	[tilespmem:$0xB0] =	vst v0  }
.Ltmp0:
0xd: {  	s21 =	simm.s32 $0x0;
	s1 =	sadd.s32 $0x41600, s0;
	[tilespmem:$0x90] =	vst v1;
	(pc) =	sbr.rel .LBB2_1-.Ltmp0, $4  }
0xe: {  	s5 =	sadd.s32 $0x1600, s0;
	s7 =	sshll.u32 s4, $0x11;
	[tilespmem:$0xA0] =	vst v1;
	[sflag:s30] =	ssyncpa.u1 $0x0  }
0xf: {  	s9 =	sshll.u32 s4, $0x1;
	s12 =	sshllo.u32 s4, $0x1;
	[sflag:s6] =	ssyncpa.u1 $0x0  }
0x10: {  	vm0 =	vmmov $0xffff;
	v2 =	vlaneseq.u32;
	s10 =	sadd.s32 $0x20000, s7;
	s11 =	sor.u32 $0x81, s9;
	[sflag:s8] =	ssyncpa.u1 $0x0  }
0x11: {  	vm1 =	vmxor vm1, vm1;
	vm2 =	vmmov $0x1;
	vm3 =	vcmask $0x3F3C;
	s13 =	sor.u32 $0x80, s9;
	s22 =	smov.u32 s7;
	[sflag:s31] =	ssyncpa.u1 $0x0  }
.LBB2_10:
0x12: {  	p1 =	slt.u32 s21, $0x3  }
0x13: {  	s0 =	simm.s32 @!p1 $0x2  }
0x14: {  	_ =	swait.ge @!p1 [sflag:s0], $0x2000  }
0x15: {  	[sflag:s0] =	ssyncset.done @!p1 $0x0  }
0x16: {  	[sflag:s0] =	ssyncadd.s32 @!p1 $0xFFFFE000;
	s0 =	simm.s32 @!p1 $0x9  }
0x17: {  	_ =	swait.ge @!p1 [sflag:s0], $0x10  }
0x18: {  	s21 =	sadd.s32 $0x1, s21;
	[sflag:s0] =	ssyncset.done @!p1 $0x0  }
0x19: {  	[sflag:s0] =	ssyncadd.s32 @!p1 $0xFFFFFFF0;
	p1 =	sne.s32 s21, $0x13  }
.Ltmp1:
0x1a: {  	_ = 	snop;
	(pc) =	sbr.rel @!p1 .LBB2_11-.Ltmp1, $4  }
0x1b: {  	s4 =	sadd.s32 $0x2000, s22;
	s24 =	smov.u32 s7  }
0x1c: {  	s15 =	sadd.s32 $0x2000, s15;
	s16 =	sadd.s32 $0x1, s16;
	p2 =	slt.s32 s4, s10  }
0x1d: {  	s23 =	smov.u32 s22;
	p0 =	por !p0, !p0;
	s24 =	smov.u32 @p2 s4  }
0x1e: {  	s17 =	sadd.s32 $0x2000, s17;
	s18 =	sadd.s32 $0x1, s18;
	s22 =	smov.u32 s24  }
.LBB2_1:
0x1f: {  	p1 =	sgt.u32 s21, $0xF  }
0x20: {  	s0 =	smul.u32 @!p1 $0xAB, s21;
	_ =	sdelay $0x1  }
0x21: {  	s0 =	sshrl.u32 @!p1 s0, $0x9  }
0x22: {  	s0 =	sand.u32 @!p1 $0x7F, s0  }
0x23: {  	s0 =	smul.u32 @!p1 $0x3, s0;
	_ =	sdelay $0x1  }
0x24: {  	s0 =	ssub.s32 @!p1 s21, s0  }
0x25: {  	s0 =	sand.u32 @!p1 $0xFF, s0  }
0x26: {  	s4 =	sshrl.u32 @!p1 s22, $0x3;
	s0 =	sshll.u32 @!p1 s0, $0xD  }
0x27: {  	s24 =	sand.u32 @!p1 $0x7, s22;
	s4 =	sadd.s32 @!p1 s2, s4;
	s0 =	sor.u32 @!p1 $0x100, s0  }
0x28: {  	[tilespmem:s0], [sflag:$0x7] =	stream.linear.gather @!p1 [hbm4b:s4+s24], $0x2000, $0x38;
	[tilespmem:$0x12120] =	vst v63  }
0x29: {  	s0 =	sadd.s32 $0xFFFFFFFF, s21  }
0x2a: {  	p1 =	sgt.u32 s0, $0xF  }
.Ltmp2:
0x2b: {  	_ = 	snop;
	(pc) =	sbr.rel @p1 .LBB2_5-.Ltmp2, $1  }
0x2c: {  	_ =	sdelay $0x3  }
0x2d: {  	s4 =	smul.u32 $0xAB, s0;
	_ =	sdelay $0x1  }
0x2e: {  	s4 =	sshrl.u32 s4, $0x9  }
0x2f: {  	s4 =	sand.u32 $0x7F, s4  }
0x30: {  	s4 =	smul.u32 $0x3, s4;
	_ =	sdelay $0x1  }
0x31: {  	s4 =	ssub.s32 s0, s4  }
0x32: {  	s4 =	sand.u32 $0xFF, s4  }
0x33: {  	_ =	swait.ge [sflag:s6], $0x2000;
	s4 =	sshll.u32 s4, $0xD  }
0x34: {  	[sflag:s6] =	ssyncset.done $0x0;
	s4 =	sor.u32 $0x100, s4  }
0x35: {  	[sflag:s6] =	ssyncadd.s32 $0xFFFFE000;
	(ifvalue) =	ssetifvalue $0xFFFFFFFF;
	v3 =	vld.msk [tilespmem:s4+$0x0 ss:$0x1], $0xffff;
	_ =	sdelay $0x1  }
0x36: {  	s28 =	sand.u32 $0xFF, s16  }
0x37: {  	p1 =	sne.s32 s21, $0x1;
	s24 =	smulhi.u32 $0x55555556, s28  }
0x38: {  	v4 =	vimm.s32 @!p1 $0x0  }
0x39: {  	s24 =	smul.u32 $0x18000, s24;
	v4 =	vperm.xlane @!p1 v3, v4  }
0x3a: {  	s25 =	sshll.u32 s21, $0x4;
	s4 =	sshll.u32 s28, $0xF;
	vm4 =	vlt.u32 v3, $0x49400  }
0x3b: {  	s29 =	sand.u32 $0x10, s25;
	s4 =	ssub.s32 s4, s24;
	v3 =	vnsel vm4, $0xFFFFFFFE, v3;
	vm4 =	vlt.u32 @!p1 v4, $0x49400  }
0x3c: {  	s4 =	sshra.s32 s4, $0x2;
	[tilespmem:s29+$0x60] =	vst v3;
	v3 =	vnsel @!p1 vm4, $0xFFFFFFFE, v4  }
0x3d: {  	s26 =	sadd.s32 $0x20F0, s4;
	[tilespmem:$0x80] =	vst @!p1 v3  }
0x3e: {  	v3 =	vld.msk [tilespmem:s26+$0x0 ss:$0x1], $0xffff;
	_ =	sdelay $0x4  }
0x3f: {  	(xrf1) =	vunique.msk.u32 $0xffff, v3;
	_ =	sdelay $0xd  }
0x40: {  	v4 =	vimm.s32 $0xFFFFFFFF;
	v5, _, _ =	vpop (xrf1)  }
0x41: {  	vm5 =	vne.s32 v3, v4;
	vm4 =	veq.s32 v5, v2  }
0x42: {  	vm6 =	vlt.u32 v3, $0x49400;
	vm4 =	vmand vm5, vm4  }
0x43: {  	vm4 =	vmand vm6, vm4  }
0x44: {  	v4 =	vnsel vm4, $0xFFFFFFFF, v3;
	_ =	sdelay $0x2  }
0x45: {  	s30 =	sand.u32 $0x2000, s15  }
0x46: {  	s31 =	sshll.u32 s0, $0xD;
	s24 =	sor.u32 $0x80F0, s30;
	(ifvalue) =	ssetifvalue $0xFFFFFFFF  }
0x47: {  	v3 =	vperm.xlane v3, v1;
	[tilespmem:s24], [sflag:$0x8] =	stream.indirect_vreg.gather [hbm4b:s1+s14], $0x1, v4, vm0, $0x4038;
	v4 =	vnsel vm6, $0xFFFFFFFE, v4;
	[tilespmem:$0x12120] =	vst v63  }
0x48: {  	s25 =	sand.u32 $0x2000, s31;
	s0 =	simm.s32 $0x0;
	s4 =	sadd.s32 $0xFFFFFFF0, s26;
	[tilespmem:s26+$0x0] =	vst v4  }
.LBB2_3:
0x49: {  	v4 =	vld.msk [tilespmem:s4+$0x0 ss:$0x1], $0xffff;
	s0 =	sadd.s32 $0x10, s0;
	v5 =	vmov v3;
	s26 =	smov.u32 s4  }
0x4a: {  	p1 =	slt.u32 s0, $0x1FF0;
	_ =	sdelay $0x4  }
0x4b: {  	v3 =	vperm.xlane v4, v1;
	(xrf1) =	vunique.msk.u32 $0xffff, v4;
	_ =	sdelay $0xd  }
0x4c: {  	v6, _, _ =	vpop (xrf1)  }
0x4d: {  	vm5 =	vne.s32 v4, v5;
	vm4 =	veq.s32 v6, v2  }
0x4e: {  	vm6 =	vlt.u32 v4, $0x49400;
	vm4 =	vmand vm5, vm4  }
0x4f: {  	vm4 =	vmand vm6, vm4  }
0x50: {  	v4 =	vnsel vm4, $0xFFFFFFFF, v4  }
.Ltmp3:
0x51: {  	v5 =	vnsel vm6, $0xFFFFFFFE, v4;
	(pc) =	sbr.rel @p1 .LBB2_3-.Ltmp3, $3  }
0x52: {  	_ =	sdelay $0x1  }
0x53: {  	s4 =	sadd.s32 $0xFFFFFFF0, s4;
	s24 =	sadd.s32 $0xFFFFFFF0, s24;
	(ifvalue) =	ssetifvalue $0xFFFFFFFF  }
0x54: {  	[tilespmem:s24], [sflag:$0x8] =	stream.indirect_vreg.gather [hbm4b:s1+s14], $0x1, v4, vm0, $0x4038;
	[tilespmem:s26+$0x0] =	vst v5  }
0x55: {  	s0 =	sshrl.u32 s23, $0x3  }
0x56: {  	s4 =	sadd.s32 $0xA100, s25;
	s0 =	sadd.s32 s5, s0  }
0x57: {  	[tilespmem:s4], [sflag:$0x8] =	stream.linear.gather [hbm:s0], $0x2000, $0x38;
	[tilespmem:$0x12120] =	vst v63  }
.LBB2_5:
0x58: {  	p1 =	sgt.u32 s21, $0x12  }
.Ltmp4:
0x59: {  	_ = 	snop;
	(pc) =	sbr.rel @p1 .LBB2_7-.Ltmp4, $1  }
0x5a: {  	_ =	sdelay $0x3  }
0x5b: {  	s0 =	sshll.u32 s3, s21  }
0x5c: {  	s0 =	sand.u32 $0x40003, s0  }
0x5d: {  	p1 =	sne.s32 s0, $0x0  }
.Ltmp5:
0x5e: {  	_ = 	snop;
	(pc) =	sbr.rel @p1 .LBB2_10-.Ltmp5, $1  }
0x5f: {  	_ =	sdelay $0x3  }
.LBB2_7:
0x60: {  	s0 =	sadd.s32 $0xFFFFFFFE, s21  }
0x61: {  	s4 =	smulhi.u32 $0xAAAAAAAB, s0;
	_ =	sdelay $0x1  }
0x62: {  	s4 =	sshrl.u32 s4, $0x1  }
0x63: {  	s4 =	smul.u32 $0x3, s4;
	_ =	sdelay $0x1  }
0x64: {  	_ =	swait.ge [sflag:s8], $0x4000;
	s0 =	ssub.s32 s0, s4  }
0x65: {  	p1 =	sne.s32 s21, $0x11;
	[sflag:s8] =	ssyncset.done $0x0;
	s0 =	sshll.u32 s0, $0xD  }
0x66: {  	[sflag:s8] =	ssyncadd.s32 $0xFFFFC000;
	s4 =	sadd.s32 @!p1 $0x20FF, s0  }
0x67: {  	[spmem:s11] =	stream.linear.scatter @!p1 [tilespmem:s4], [sflag:$0x1], $0x1, $0x38;
	[tilespmem:$0x12120] =	vst v63  }
0x68: {  	s4 =	simm.s32 @!p1 $0x1  }
0x69: {  	_ =	swait.ge @!p1 [sflag:s4], $0x1  }
0x6a: {  	s23 =	sshll.u32 s21, $0x4;
	[sflag:s4] =	ssyncset.done @!p1 $0x0  }
0x6b: {  	s23 =	sand.u32 $0x10, s23;
	[sflag:s4] =	ssyncadd.s32 @!p1 $0xFFFFFFFF  }
0x6c: {  	s4 =	sxor.u32 $0x10, s23;
	v4 =	vld [tilespmem:s23+$0x10]  }
0x6d: {  	v5 =	vld [tilespmem:s4+$0x60]  }
0x6e: {  	v3 =	vld [tilespmem:$0x80];
	_ =	sdelay $0x2  }
0x6f: {  	(v2sf) =	vpush v4, $0x0  }
0x70: {  	(v2sf) =	vpush v5, $0x0  }
0x71: {  	(v2sf) =	vpush v3, $0x0;
	_ =	sdelay $0xc  }
0x72: {  	s24 =	spop (v2sf)  }
0x73: {  	s26 =	spop (v2sf)  }
0x74: {  	s25 =	spop (v2sf)  }
0x75: {  	p3 =	seq.s32 s24, s26;
	p2 =	seq.s32 s25, s24  }
0x76: {  	p2 =	por p3, p2  }
0x77: {  	v4 =	vpsel p2, $0xFFFFFFFF, v4  }
0x78: {  	s24 =	sand.u32 $0x1, s21;
	[tilespmem:s23+$0x10] =	vst.msk $0x1, v4  }
0x79: {  	s26 =	sshll.u32 s24, $0xD;
	v4 =	vld [tilespmem:$0x30]  }
0x7a: {  	v5 =	vld [tilespmem:s26+$0xA100]  }
0x7b: {  	v6 =	vld [tilespmem:s23+$0x40];
	_ =	sdelay $0x3  }
0x7c: {  	vm4 =	vmmov vm1;
	vm6 =	vmmov vm2;
	vm5 =	vgt.s32 v4, v5  }
0x7d: {  	vm4 =	vmmov @p3 vm2;
	s24 =	sshll.u32 s24, $0x4;
	v5 =	vsel vm5, v4, v5;
	vm5 =	vgt.s32 v4, v6  }
0x7e: {  	vm6 =	vmmov @p2 vm1;
	s24 =	sor.u32 $0x12100, s24;
	v4 =	vsel vm5, v4, v6;
	[tilespmem:s26+$0xA100] =	vst.msk vm4, v5  }
0x7f: {  	[tilespmem:s24+$0x0] =	vst.msk vm6, v4  }
0x80: {  	v4 =	vld [tilespmem:s26+$0x80F0];
	_ =	sdelay $0x4  }
0x81: {  	v4 =	vshift.insert v4, v1, s19  }
0x82: {  	s28 =	sor.u32 $0x40, s4  }
0x83: {  	v5 =	vimm.s32 $0x80000000;
	[tilespmem:s28+$0x0] =	vst.msk $0x1, v4  }
0x84: {  	[tilespmem:s26+$0x80FF] =	vst.msk $0x1, v5  }
0x85: {  	v4 =	vld [tilespmem:s0+$0x20F0];
	_ =	sdelay $0x2  }
0x86: {  	s0 =	smulhi.u32 $0xAAAAAAAB, s18  }
0x87: {  	s28 =	simm.s32 $0x1  }
0x88: {  	s28 =	simm.s32 @!p0 $0x0;
	s0 =	sshrl.u32 s0, $0x1;
	v4 =	vshift.insert v4, v1, s19  }
0x89: {  	s28 =	sshll.u32 s28, $0xD;
	s0 =	smul.u32 $0xFFFE8000, s0  }
0x8a: {  	s30 =	sadd.s32 $0xA100, s28;
	[tilespmem:s4+$0x10] =	vst.msk $0x1, v4  }
0x8b: {  	s0 =	sshra.s32 s0, $0x2;
	v6 =	vld [tilespmem:s30+$0x0]  }
0x8c: {  	s0 =	sadd.s32 s0, s17  }
0x8d: {  	v7 =	vld [tilespmem:s0+$0x0];
	_ =	sdelay $0x2  }
0x8e: {  	vm4 =	vgt.s32 v6, v5  }
0x8f: {  	v5 =	vsel vm4, v6, v5  }
0x90: {  	vm4 =	vne.s32 v7, $0xFFFFFFFF;
	v5 =	vxor.u32 $0x80000000, v5  }
0x91: {  	(xrf0) =	vmax.seg.scan.u32 vm4, v5  }
0x92: {  	s4 =	sadd.s32 $0x6100, s28  }
0x93: {  	v8 =	vld [tilespmem:s4+$0x0]  }
0x94: {  	v6 =	vld [tilespmem:$0xA0];
	_ =	sdelay $0x2  }
0x95: {  	v5 =	vperm.xlane v4, v1;
	v9, _, _ =	vpop (xrf0)  }
0x96: {  	vm6 =	veq.s32 v7, v3;
	v9 =	vxor.u32 $0x80000000, v9  }
0x97: {  	vm8 =	veq.s32 v7, v5;
	vm5 =	veq.s32 v6, $0x1;
	vm7 =	vgt.s32 v9, v8  }
0x98: {  	vm8 =	vmor vm8, vm6;
	v6 =	vsel vm7, v9, v8;
	vm7 =	vgt.u32 v7, $0xFFFFFFFD  }
0x99: {  	v10 =	vld [tilespmem:$0x90];
	vm9 =	vmand vm4, vm3;
	vm4 =	vmor vm5, vm6;
	vm5 =	vmor vm8, vm7  }
0x9a: {  	v8 =	vsel vm5, $0xFFFFFFFF, v7;
	_ =	sdelay $0x1  }
0x9b: {  	s29 =	simm.s32 $0x0  }
0x9c: {  	s28 =	sadd.s32 $0xE100, s28;
	s31 =	sadd.s32 $0x10, s0;
	s30 =	sadd.s32 $0x10, s30;
	v11 =	vsel vm9, $0x80000000, v9;
	v6 =	vsel vm6, v9, v6  }
0x9d: {  	s0 =	sadd.s32 $0x10, s28;
	s4 =	sadd.s32 $0x10, s4;
	[tilespmem:s28+$0x0] =	vst v6;
	v6 =	vsel vm6, v9, v10;
	v7 =	vshift.insert v11, v0, s19;
	(ifvalue) =	ssetifvalue $0xFFFFFFFF  }
.LBB2_8:
0x9e: {  	[hbm4b:s1+s14] =	stream.indirect_vreg.scatter [tilespmem:s28], [sflag:$0x2], $0x1, v8, vm0, $0x4038;
	[tilespmem:$0x12120] =	vst v63  }
0x9f: {  	s29 =	sadd.s32 $0x10, s29;
	s28 =	smov.u32 s0;
	v8 =	vld [tilespmem:s30+$0x0]  }
0xa0: {  	p2 =	slt.u32 s29, $0x1FF0  }
0xa1: {  	v9 =	vld [tilespmem:s31+$0x0];
	_ =	sdelay $0x2  }
0xa2: {  	vm5 =	vgt.s32 v8, v7  }
0xa3: {  	v7 =	vsel vm5, v8, v7  }
0xa4: {  	vm5 =	vne.s32 v9, $0xFFFFFFFF;
	v7 =	vxor.u32 $0x80000000, v7  }
0xa5: {  	(xrf0) =	vmax.seg.scan.u32 vm5, v7;
	_ =	sdelay $0x2  }
0xa6: {  	v7 =	vld [tilespmem:s4+$0x0];
	_ =	sdelay $0x1  }
0xa7: {  	vm6 =	veq.s32 v9, v3;
	vm7 =	veq.s32 v9, v5  }
0xa8: {  	vm8 =	vgt.u32 v9, $0xFFFFFFFD;
	vm4 =	vmor vm4, vm6;
	vm7 =	vmor vm7, vm6;
	v8, _, _ =	vpop (xrf0)  }
0xa9: {  	vm5 =	vmand vm5, vm3;
	vm7 =	vmor vm7, vm8;
	v10 =	vxor.u32 $0x80000000, v8  }
.Ltmp6:
0xaa: {  	v8 =	vsel vm7, $0xFFFFFFFF, v9;
	vm7 =	vgt.s32 v10, v7;
	v9 =	vsel vm5, $0x80000000, v10;
	(pc) =	sbr.rel @p2 .LBB2_8-.Ltmp6, $4  }
0xab: {  	v6 =	vsel vm6, v10, v6;
	v11 =	vsel vm7, v10, v7;
	v7 =	vshift.insert v9, v0, s19  }
0xac: {  	v9 =	vsel vm6, v10, v11  }
0xad: {  	s30 =	sadd.s32 $0x10, s30;
	s31 =	sadd.s32 $0x10, s31;
	[tilespmem:s0+$0x0] =	vst v9  }
0xae: {  	s4 =	sadd.s32 $0x10, s4;
	s0 =	sadd.s32 $0x10, s0;
	(ifvalue) =	ssetifvalue $0xFFFFFFFF  }
0xaf: {  	_ =	sdelay $0x3  }
0xb0: {  	[hbm4b:s1+s14] =	stream.indirect_vreg.scatter [tilespmem:s28], [sflag:$0x2], $0x1, v8, vm0, $0x4038;
	[tilespmem:$0x12120] =	vst v63  }
0xb1: {  	v3 =	vld [tilespmem:s26+$0x100F0];
	_ =	sdelay $0x4  }
0xb2: {  	v3 =	vshift.insert v3, v1, s19;
	_ =	sdelay $0x1  }
0xb3: {  	[tilespmem:s20+$0x0] =	vst.msk $0x1, v3  }
0xb4: {  	v3 =	vsel vm4, $0x1, v1;
	[tilespmem:$0x90] =	vst v6  }
0xb5: {  	s0 =	sadd.s32 @!p1 $0x100FF, s26;
	[tilespmem:$0xA0] =	vst v3  }
0xb6: {  	[spmem:s12] =	stream.linear.scatter @!p1 [tilespmem:s0], [sflag:$0x1], $0x1, $0x38;
	[tilespmem:$0x12120] =	vst v63  }
0xb7: {  	s0 =	simm.s32 @!p1 $0x1  }
0xb8: {  	v3 =	vmctz.xlane @!p1 vm4;
	_ =	swait.ge @!p1 [sflag:s0], $0x1  }
0xb9: {  	(v2sf) =	vpush @!p1 v4, $0x0  }
0xba: {  	(v2sf) =	vpush @!p1 v3, $0x0;
	_ =	sdelay $0xd  }
0xbb: {  	s4 =	spop @!p1 (v2sf)  }
0xbc: {  	s26 =	spop @!p1 (v2sf)  }
0xbd: {  	p2 =	sne.s32 @!p1 s25, s4;
	p3 =	slt.s32 @!p1 s26, $0xF  }
0xbe: {  	[sflag:s0] =	ssyncset.done @!p1 $0x0;
	p2 =	por p2, p1;
	p3 =	por !p3, p1  }
0xbf: {  	[sflag:s0] =	ssyncadd.s32 @!p1 $0xFFFFFFFF;
	v3 =	vimm.s32 @!p2 $0xFFFFFFFF;
	s26 =	simm.s32 @p3 $0xF  }
0xc0: {  	[tilespmem:$0x80] =	vst @!p2 v3;
	s4 =	sadd.s32 @!p1 $0x90, s26  }
0xc1: {  	[spmem:s9] =	stream.linear.scatter @!p1 [tilespmem:s4], [sflag:$0x1], $0x1, $0x38;
	[tilespmem:$0x12120] =	vst v63  }
0xc2: {  	_ =	swait.ge @!p1 [sflag:s0], $0x1  }
0xc3: {  	[sflag:s0] =	ssyncset.done @!p1 $0x0  }
0xc4: {  	s4 =	simm.s32 @!p1 $0x80;
	[sflag:s0] =	ssyncadd.s32 @!p1 $0xFFFFFFFF  }
0xc5: {  	[spmem:s13] =	stream.linear.scatter @!p1 [tilespmem:s4], [sflag:$0x1], $0x1, $0x38;
	[tilespmem:$0x12120] =	vst v63  }
0xc6: {  	_ =	swait.ge @!p1 [sflag:s0], $0x1  }
0xc7: {  	[sflag:s0] =	ssyncset.done @!p1 $0x0  }
0xc8: {  	[sflag:s0] =	ssyncadd.s32 @!p1 $0xFFFFFFFF;
	(ifvalue) =	ssetifvalue $0xFFFFFFFF;
	v3 =	vld [tilespmem:s23+$0x10];
	_ =	sdelay $0x3  }
.Ltmp7:
0xc9: {  	_ = 	snop;
	(pc) =	sbr.rel .LBB2_10-.Ltmp7, $3  }
0xca: {  	_ =	sdelay $0x1  }
0xcb: {  	(ifvalue) =	ssetifvalue $0xFFFFFFFF  }
0xcc: {  	[hbm4b:s1+s14] =	stream.indirect_vreg.scatter [tilespmem:s24], [sflag:$0x9], $0x1, v3, vm0, $0x4038;
	[tilespmem:$0x12120] =	vst v63  }
.LBB2_11:
0xcd: {  	_ =	sfence.sel $0x180000  }
0xce: {  	s0 =	simm.s32 $0x7;
	[bflag:$0x0] =	sbarrier.arrive $0xFFFF  }
0xcf: {  	s26 =	simm.s32 $0x8;
	[sflag:s0] =	ssyncpa.u1 $0x1  }
0xd0: {  	s28 =	simm.s32 $0x9;
	[sflag:s26] =	ssyncpa.u1 $0x1  }
0xd1: {  	[sflag:s28] =	ssyncpa.u1 $0x1  }
0xd2: {  	_ =	sfence.stream.spmem  }
0xd3: {  	s29 =	simm.s32 $0x3;
	[bflag:$0x0] =	sbarrier.arrive $0xFFFF  }
0xd4: {  	s30 =	simm.s32 $0x4;
	[sflag:s29] =	ssyncpa.u1 $0x1  }
0xd5: {  	s31 =	simm.s32 $0x3C;
	s2 =	stileid.u32;
	[sflag:s30] =	ssyncpa.u1 $0x1  }
0xd6: {  	p0 =	sne.s32 s2, $0x0;
	[sflag:s31] =	ssyncpa.u1 $0x1  }
0xd7: {  	s0 =	simm.s32 @p0 $0x1;
	_ =	sfence @p0  }
0xd8: {  	[sflag:s0] =	ssyncpa.u1 @p0 $0x1;
	s0 =	simm.s32 @p0 $0x2  }
0xd9: {  	[sflag:s0] =	ssyncpa.u1 @p0 $0x1  }
0xda: {  	_ =	strace @p0 $0x90000047  }
0xdb: {  	[bflag:$0x2] =	sbarrier.arrive @p0 $0xFFFF  }
0xdc: {  	_ =	shalt @p0  }
.LBB2_12:
0xdd: {  	_ =	sfence.stream.spmem;
	s0 =	simm.s32 $0x5  }
0xde: {  	s2 =	simm.s32 $0x80;
	s3 =	simm.s32 $0xC0;
	[sflag:s0] =	ssyncpa.u1 $0x0  }
0xdf: {  	[tilespmem:s3], [sflag:$0x5] =	stream.linear.gather [spmem:s2], $0x20, $0x38;
	[tilespmem:$0x12120] =	vst v63  }
0xe0: {  	s30 =	simm.s32 $0xE0;
	s2 =	simm.s32 $0x0  }
0xe1: {  	[tilespmem:s30], [sflag:$0x5] =	stream.linear.gather [spmem:s2], $0x20, $0x38;
	[tilespmem:$0x12120] =	vst v63  }
.Ltmp8:
0xe2: {  	_ = 	snop;
	(pc) =	sbr.rel .LBB2_13-.Ltmp8, $4  }
0xe3: {  	_ =	swait.ge [sflag:s0], $0x40  }
0xe4: {  	[sflag:s0] =	ssyncset.done $0x0  }
0xe5: {  	s31 =	simm.s32 $0x6;
	[sflag:s0] =	ssyncadd.s32 $0xFFFFFFC0  }
0xe6: {  	s3 =	simm.s32 $0x0;
	[sflag:s31] =	ssyncpa.u1 $0x0  }
.LBB2_18:
0xe7: {  	p0 =	sgt.u32 s4, $0x493FF  }
0xe8: {  	s0 =	sshrl.u32 @!p0 s4, $0x3  }
0xe9: {  	s4 =	sand.u32 @!p0 $0x7, s4;
	s5 =	simm.s32 @!p0 $0xB0;
	s0 =	sadd.s32 @!p0 s1, s0  }
0xea: {  	[tilespmem:s5], [sflag:$0x6] =	stream.linear.gather @!p0 [hbm4b:s0+s4], $0x1, $0x38;
	[tilespmem:$0x12120] =	vst v63  }
0xeb: {  	s0 =	simm.s32 @!p0 $0x6  }
0xec: {  	_ =	swait.ge @!p0 [sflag:s0], $0x1  }
0xed: {  	[sflag:s0] =	ssyncset.done @!p0 $0x0  }
0xee: {  	[sflag:s0] =	ssyncadd.s32 @!p0 $0xFFFFFFFF  }
0xef: {  	v1 =	vld.msk @!p0 [tilespmem:$0xB0], $0x1  }
0xf0: {  	v2 =	vld.msk @!p0 [tilespmem:s3+$0xE0], $0x1;
	_ =	sdelay $0x4  }
0xf1: {  	vm0 =	vgt.s32 @!p0 v2, v1  }
0xf2: {  	v1 =	vsel @!p0 vm0, v2, v1  }
0xf3: {  	[tilespmem:s3+$0xE0] =	vst.msk @!p0 $0x1, v1  }
0xf4: {  	[tilespmem:s2+$0xC0] =	vst.msk $0x1, v0  }
0xf5: {  	v0 =	vld.msk [tilespmem:s3+$0xE0], $0x1;
	_ =	sdelay $0x4  }
0xf6: {  	[tilespmem:s2+$0xE0] =	vst.msk $0x1, v0;
	s2 =	sadd.s32 $0x1, s2  }
.LBB2_20:
0xf7: {  	s3 =	sadd.s32 $0x1, s3  }
0xf8: {  	p0 =	sne.s32 s3, $0x20  }
.Ltmp9:
0xf9: {  	_ = 	snop;
	(pc) =	sbr.rel @!p0 .LBB2_21-.Ltmp9, $1  }
0xfa: {  	_ =	sdelay $0x3  }
.LBB2_13:
0xfb: {  	v0 =	vld.msk [tilespmem:s3+$0xC0], $0x1;
	_ =	sdelay $0x4  }
0xfc: {  	(v2sf) =	vpush v0, $0x0;
	_ =	sdelay $0xe  }
0xfd: {  	s4 =	spop (v2sf)  }
0xfe: {  	p0 =	seq.s32 s4, $0xFFFFFFFF  }
.Ltmp10:
0xff: {  	_ = 	snop;
	(pc) =	sbr.rel @p0 .LBB2_20-.Ltmp10, $1  }
0x100: {  	_ =	sdelay $0x3  }
0x101: {  	p0 =	slt.s32 s2, $0x1  }
.Ltmp11:
0x102: {  	_ = 	snop;
	(pc) =	sbr.rel @p0 .LBB2_18-.Ltmp11, $1  }
0x103: {  	_ =	sdelay $0x3  }
0x104: {  	s0 =	simm.s32 $0xC0;
	p0 =	por $0x0, $0x0  }
0x105: {  	v1 =	vld.msk @!p0 [tilespmem:s0+$0x0], $0x1;
	_ =	sdelay $0x4  }
0x106: {  	(v2sf) =	vpush @!p0 v1, $0x0;
	_ =	sdelay $0xd  }
0x107: {  	p2 =	sne.s32 s2, $0x1  }
.Ltmp12:
0x108: {  	s5 =	spop @!p0 (v2sf);
	(pc) =	sbr.rel @!p2 .LBB2_17-.Ltmp12, $4  }
0x109: {  	p1 =	seq.s32 @!p0 s4, s5  }
0x10a: {  	s5 =	simm.s32 $0x0;
	p1 =	por !p1, p0  }
0x10b: {  	s7 =	simm.s32 $0xFFFFFFFF;
	s5 =	simm.s32 @p1 $0xFFFFFFFF  }
0x10c: {  	s6 =	simm.s32 $0x1;
	s5 =	smov.u32 @p0 s7  }
.LBB2_16:
0x10d: {  	s7 =	smov.u32 s5;
	p0 =	sne.s32 s5, $0xFFFFFFFF  }
0x10e: {  	s0 =	sadd.s32 $0x1, s0;
	s5 =	smov.u32 s6;
	s6 =	sadd.s32 $0x1, s6  }
0x10f: {  	p1 =	sne.s32 s2, s6;
	v1 =	vld.msk @!p0 [tilespmem:s0+$0x0], $0x1;
	_ =	sdelay $0x4  }
0x110: {  	(v2sf) =	vpush @!p0 v1, $0x0;
	_ =	sdelay $0xe  }
.Ltmp13:
0x111: {  	s8 =	spop @!p0 (v2sf);
	(pc) =	sbr.rel @p1 .LBB2_16-.Ltmp13, $4  }
0x112: {  	p2 =	seq.s32 @!p0 s4, s8  }
0x113: {  	p2 =	por !p2, p0  }
0x114: {  	s5 =	simm.s32 @p2 $0xFFFFFFFF  }
0x115: {  	s5 =	smov.u32 @p0 s7  }
.LBB2_17:
0x116: {  	p0 =	sne.s32 s5, $0xFFFFFFFF  }
.Ltmp14:
0x117: {  	_ = 	snop;
	(pc) =	sbr.rel @!p0 .LBB2_18-.Ltmp14, $1  }
0x118: {  	_ =	sdelay $0x3  }
0x119: {  	v0 =	vld.msk [tilespmem:s3+$0xE0], $0x1  }
0x11a: {  	v1 =	vld.msk [tilespmem:s5+$0xE0], $0x1;
	_ =	sdelay $0x2  }
.Ltmp15:
0x11b: {  	_ = 	snop;
	(pc) =	sbr.rel .LBB2_20-.Ltmp15, $4  }
0x11c: {  	_ = 	snop  }
0x11d: {  	vm0 =	vgt.s32 v1, v0  }
0x11e: {  	v0 =	vsel vm0, v1, v0  }
0x11f: {  	[tilespmem:s5+$0xE0] =	vst.msk $0x1, v0  }
.LBB2_21:
0x120: {  	p0 =	slt.s32 s2, $0x1  }
.Ltmp16:
0x121: {  	_ = 	snop;
	(pc) =	sbr.rel @p0 .LBB2_25-.Ltmp16, $3  }
0x122: {  	_ =	sdelay $0x1  }
0x123: {  	s0 =	simm.s32 $0x6  }
0x124: {  	s3 =	simm.s32 $0x0;
	[sflag:s0] =	ssyncpa.u1 $0x1  }
0x125: {  	s0 =	simm.s32 $0xC0  }
0x126: {  	v0 =	vld.msk [tilespmem:s0+$0x0], $0x1;
	_ =	sdelay $0x4  }
0x127: {  	(v2sf) =	vpush v0, $0x0;
	_ =	sdelay $0xe  }
0x128: {  	s2 =	sadd.s32 $0xFFFFFFFF, s2;
	s4 =	spop (v2sf)  }
0x129: {  	p1 =	sne.s32 s2, $0x0;
	p0 =	sgt.u32 s4, $0x493FF  }
.Ltmp17:
0x12a: {  	s5 =	sshrl.u32 @!p0 s4, $0x3;
	(pc) =	sbr.rel @!p1 .LBB2_24-.Ltmp17, $4  }
0x12b: {  	s0 =	simm.s32 $0xE0;
	s4 =	sand.u32 @!p0 $0x7, s4;
	s5 =	sadd.s32 @!p0 s1, s5  }
0x12c: {  	[hbm4b:s5+s4] =	stream.linear.scatter @!p0 [tilespmem:s0], [sflag:$0x5], $0x1, $0x38;
	[tilespmem:$0x12120] =	vst v63  }
0x12d: {  	s5 =	simm.s32 $0x0  }
0x12e: {  	s4 =	simm.s32 $0xC1;
	s5 =	simm.s32 @!p0 $0x4  }
.LBB2_23:
0x12f: {  	v0 =	vld.msk [tilespmem:s4+$0x0], $0x1;
	s2 =	sadd.s32 $0xFFFFFFFF, s2;
	s3 =	sadd.s32 s3, s5  }
0x130: {  	p0 =	sne.s32 s2, $0x0;
	_ =	sdelay $0x3  }
0x131: {  	(v2sf) =	vpush v0, $0x0;
	_ =	sdelay $0xe  }
.Ltmp18:
0x132: {  	s6 =	spop (v2sf);
	(pc) =	sbr.rel @p0 .LBB2_23-.Ltmp18, $4  }
0x133: {  	s5 =	simm.s32 $0x0;
	p1 =	sgt.u32 s6, $0x493FF  }
0x134: {  	s0 =	sadd.s32 $0x1, s0;
	s5 =	simm.s32 @!p1 $0x4;
	s7 =	sshrl.u32 @!p1 s6, $0x3  }
0x135: {  	s4 =	sadd.s32 $0x1, s4;
	s6 =	sand.u32 @!p1 $0x7, s6;
	s7 =	sadd.s32 @!p1 s1, s7  }
0x136: {  	[hbm4b:s7+s6] =	stream.linear.scatter @!p1 [tilespmem:s0], [sflag:$0x5], $0x1, $0x38;
	[tilespmem:$0x12120] =	vst v63  }
.LBB2_24:
0x137: {  	s0 =	sadd.s32 s3, s5  }
0x138: {  	s3 =	sshrl.u32 s0, $0x2  }
.LBB2_25:
0x139: {  	s0 =	simm.s32 $0x5  }
0x13a: {  	_ =	swait.ge [sflag:s0], s3  }
0x13b: {  	s1 =	ssub.s32 $0x0, s3;
	[sflag:s0] =	ssyncset.done $0x0  }
0x13c: {  	[sflag:s0] =	ssyncadd.s32 s1  }
0x13d: {  	[sflag:s0] =	ssyncpa.u1 $0x1  }
0x13e: {  	s29 =	simm.s32 $0x1;
	_ =	sfence  }
0x13f: {  	s30 =	simm.s32 $0x2;
	[sflag:s29] =	ssyncpa.u1 $0x1  }
0x140: {  	[sflag:s30] =	ssyncpa.u1 $0x1  }
0x141: {  	_ =	strace $0x90000047  }
0x142: {  	[bflag:$0x2] =	sbarrier.arrive $0xFFFF  }
0x143: {  	s31 =	rddreg [dreg:$0x2]  }
0x144: {  	s0 =	sadd.s32 $0x100000, s31  }
0x145: {  	[sflag:s0] =	ssyncadd.tile.s32 $0x1;
	_ =	shalt  }
.Lfunc_end2:
_tile_overlayer_lowered:
.L_overlay_start_2:
0x146: {  	(tag) =	ssettag $0x2  }
0x147: {  	s0 =	rddreg [dreg:$0x0];
	s2 =	stileid.u32  }
0x148: {  	s1 =	rddreg [dreg:$0x1];
	p0 =	sne.s32 s2, $0x0  }
0x149: {  	s3 =	rddreg [dreg:$0x2];
	[bflag:$0x3] =	sbarrier.arrive $0xFFFF;
	s2 =	simm.s32 @!p0 $0x1C01  }
0x14a: {  	[timem:s3], [sflag:s2] =	dma.local @!p0 [hbm:s0], s1  }
0x14b: {  	s0 =	simm.s32 @!p0 $0x1  }
0x14c: {  	_ =	swait.ge @!p0 [sflag:s0], s1  }
0x14d: {  	s1 =	ssub.s32 @!p0 $0x0, s1;
	[sflag:s0] =	ssyncset.done @!p0 $0x0  }
0x14e: {  	[sflag:s0] =	ssyncadd.s32 @!p0 s1  }
0x14f: {  	[bflag:$0x3] =	sbarrier.arrive $0xFFFF  }
0x150: {  	_ =	shalt  }

// kernel: sparse-core-data-format-call.cloned.1.call-start
scs
called_computation.1_lowered:
.L_overlay_start_0:
0x0: {  	s2 =	sld [smem:$0x3FD9]  }
0x1: {  	s3 =	sld [smem:$0x3FFE];
	_ =	sdelay $0x1  }
0x2: {  	s1 =	srdreg.scid  }
0x3: {  	s0 =	sand.u32 $0x1, s1  }
0x4: {  	s18 =	sshll.u32 s0, $0xA;
	s2 =	sadd.s32 s3, s2  }
0x5: {  	s2 =	sadd.s32 s2, s18  }
0x6: {  	[smem:$0x3FC0] =	sst s2  }
0x7: {  	_ = 	snop  }
0x8: {  	s2 =	sld [smem:$0x3FD0];
	(tm) =	ssettm $0x1  }
0x9: {  	s19 =	sld [smem:$0x3FFB];
	_ =	sdelay $0x3  }
0xa: {  	_ =	strace s19  }
0xb: {  	s3 =	sld [smem:$0x3FFC];
	_ =	sdelay $0x3  }
0xc: {  	_ =	strace s3  }
0xd: {  	s3 =	sld [smem:$0x3FFD];
	_ =	sdelay $0x3  }
0xe: {  	_ =	strace s3  }
0xf: {  	_ =	strace $0x8FFFFFFF  }
0x10: {  	s20 =	sld [smem:$0x3FDB];
	_ =	sdelay $0x1  }
0x11: {  	s4 =	simm.s32 $_scs_section_size  }
0x12: {  	s5 =	simm.s32 $_size__tile_overlayer_lowered;
	s6 =	simm.s32 $_tile_overlayer_lowered  }
0x13: {  	s23 =	simm.s32 $0x1BFF;
	s22 =	sshll.u32 s6, $0x1;
	s3 =	sadd.s32 s4, s20  }
0x14: {  	s7 =	simm.s32 $0x0;
	s21 =	sshll.u32 s5, $0x1;
	s5 =	sadd.s32 s22, s3  }
0x15: {  	[timem:s7], [sflag:s23] =	dma.local [hbm:s5], s21  }
0x16: {  	_ =	swait.ge [sflag:s23], s21  }
0x17: {  	s4 =	ssub.s32 $0x0, s21;
	[sflag:s23] =	ssyncset.done $0x0  }
0x18: {  	[sflag:s23] =	ssyncadd.s32 s4;
	_ =	sdelay $0x1  }
0x19: {  	s24 =	simm.s32 $0x1B8B  }
0x1a: {  	_ =	swait.ge [sflag:s24], $0x1  }
0x1b: {  	[sflag:s24] =	ssyncset.done $0x0  }
0x1c: {  	s26 =	simm.s32 $0x1B8E;
	s25 =	sld [smem:$0x3FFE];
	[sflag:s24] =	ssyncadd.s32 $0xFFFFFFFF  }
0x1d: {  	s27 =	simm.s32 $execute0_lowered;
	[smem:$0x3FD2] =	sst s26  }
0x1e: {  	s5 =	sshll.u32 s27, $0x1;
	_ =	strace $0x8000004F;
	[dreg:$0x1] =	wrdreg $0xFFFFFFFF  }
0x1f: {  	s28 =	simm.s32 $_size_execute0_lowered;
	s3 =	sadd.s32 s3, s5;
	[dreg:$0x0] =	wrdreg $0x0  }
0x20: {  	s5 =	sshll.u32 s28, $0x1;
	[dreg:$0x2] =	wrdreg s3  }
0x21: {  	[dreg:$0x3] =	wrdreg s5  }
0x22: {  	[dreg:$0x4] =	wrdreg $0xC0  }
0x23: {  	_ =	task [dreg:s7], $0x5FFFF  }
0x24: {  	[dreg:$0x1] =	wrdreg $0xFFFFFFFF  }
0x25: {  	[dreg:$0x0] =	wrdreg $0x60  }
0x26: {  	[dreg:$0x2] =	wrdreg s25  }
0x27: {  	[dreg:$0x3] =	wrdreg s2  }
0x28: {  	[dreg:$0x4] =	wrdreg $0x9  }
0x29: {  	_ =	task.clear_ibuf [dreg:s7], $0x5FFFF;
	_ =	strace $0x9000004F  }
0x2a: {  	s29 =	simm.s32 $0x9;
	_ =	strace $0x80000051  }
0x2b: {  	_ =	swait.ge [sflag:s29], $0x1  }
0x2c: {  	[sflag:s29] =	ssyncadd.s32 $0xFFFFFFFF  }
0x2d: {  	_ =	strace $0x90000051  }
0x2e: {  	_ =	sfence  }
0x2f: {  	s30 =	sld [smem:$0x0];
	_ =	sdelay $0x2  }
0x30: {  	s31 =	sshll.u32 s1, $0xD;
	s1 =	sshrl.u32 s1, $0x2  }
0x31: {  	s3 =	sand.u32 $0x4000, s31;
	s1 =	sadd.s32 s1, s30  }
0x32: {  	s0 =	sor.u32 s3, s0;
	s1 =	sshll.u32 s1, $0x11  }
0x33: {  	s0 =	sor.u32 s1, s0  }
0x34: {  	s0 =	sadd.s32 $0x8F2B, s0  }
0x35: {  	[sflag:s0] =	ssyncadd.remote.s32 $0x1  }
0x36: {  	_ =	sfence.sel $0xFFFF  }
0x37: {  	[dreg:$0x0] =	wrdreg $0xFFFFFFFF;
	(pc) =	sbr.abs _section_cstart, $3  }
0x38: {  	[dreg:$0x1] =	wrdreg $0xFFFFFFFF  }
0x39: {  	_ =	task.clear_ibuf [dreg:s7], $0x2FFFF;
	_ =	strace $0x9FFFFFFF  }
0x3a: {  	(tm) =	ssettm $0x7FFFFFFF  }
0x3b: {  	_ =	shalt  }
tec
execute0_lowered:
.L_overlay_start_1:
0x0: {  	(tag) =	ssettag $0x1  }
0x1: {  	s0 =	srdreg.scid  }
0x2: {  	s5 =	rddreg [dreg:$0x0];
	s1 =	sshll.u32 s0, $0x4  }
0x3: {  	s2 =	rddreg [dreg:$0x1];
	s0 =	stileid.u32;
	s1 =	sand.u32 $0x10, s1  }
0x4: {  	s4 =	simm.s32 $0x1;
	s8 =	simm.s32 $0x2;
	s1 =	sor.u32 s0, s1  }
0x5: {  	s12 =	simm.s32 $0x0;
	s9 =	simm.s32 $0x0;
	s3 =	sshll.u32 s1, $0x7  }
0x6: {  	s11 =	simm.s32 $0x0;
	s5 =	sadd.s32 $0x150AA00, s5;
	s6 =	ssub.s32 $0x300000, s3  }
.Ltmp0:
0x7: {  	s1 =	rddreg [dreg:$0x2];
	s7 =	sand.u32 $0xF80, s6;
	(pc) =	sbr.rel .LBB1_1-.Ltmp0, $4  }
0x8: {  	_ =	strace $0x80000050;
	p0 =	sne.s32 s7, $0x0;
	s7 =	simm.s32 $0x1  }
0x9: {  	[sflag:s4] =	ssyncpa.u1 $0x0;
	s6 =	sshrl.u32 s6, $0xC;
	s7 =	simm.s32 @!p0 $0x0  }
0xa: {  	s10 =	smov.u32 s3;
	[sflag:s8] =	ssyncpa.u1 $0x0;
	s6 =	sadd.s32 s7, s6  }
0xb: {  	s8 =	simm.s32 $0xC00000;
	p0 =	por $0x0, $0x0;
	s7 =	sadd.s32 $0x1, s6  }
.LBB1_4:
0xc: {  	s15 =	sshll.u32 s9, $0x2  }
0xd: {  	s16 =	sand.u32 $0x7F, s9;
	s17 =	sand.u32 $0xFFFFFE00, s15  }
0xe: {  	s15 =	smulhi.u32 $0xAAAAAAAB, s15;
	s16 =	sor.u32 s16, s17  }
0xf: {  	p1 =	sgt.s32 s9, $0x2FFF80;
	s18 =	smov.u32 s9;
	s17 =	smulhi.u32 $0xAAAAAAAB, s16  }
0x10: {  	s19 =	sshra.s32 s9, $0x1F;
	s18 =	simm.s32 @!p1 $0x2FFF80  }
0x11: {  	s19 =	sand.u32 s19, s9;
	s15 =	sshrl.u32 s15, $0x15;
	s17 =	sshrl.u32 s17, $0x15  }
0x12: {  	s18 =	ssub.s32 s18, s19;
	s15 =	sand.u32 $0x3, s15;
	s17 =	smul.u32 $0x300000, s17  }
0x13: {  	s18 =	sadd.s32 $0xFFD00080, s18;
	s15 =	smul.u32 $0x60000, s15  }
0x14: {  	s27 =	sshll.u32 s18, $0x4;
	p1 =	sgt.s32 s18, $0x7F;
	s16 =	ssub.s32 s16, s17  }
0x15: {  	s28 =	ssub.s32 $0x800, s27;
	s15 =	sadd.s32 s2, s15;
	s29 =	sand.u32 $0x7, s16  }
0x16: {  	s17 =	sshrl.u32 s28, $0x2;
	s16 =	sshrl.u32 s16, $0x3;
	s18 =	sshll.u32 s29, $0x12  }
0x17: {  	[tilespmem:s14+$0x0 ss:$0x81] =	vst.msk $0xffff, v0;
	s17 =	simm.s32 @p1 $0x0;
	s30 =	sadd.s32 s16, s15;
	s31 =	sor.u32 $0x200, s18  }
0x18: {  	[hbm4b:s30+s31] =	stream.strided.scatter [tilespmem:s13], [sflag:$0x2], s17, s8, s31, $0x20;
	[tilespmem:$0x4040] =	vst v63  }
.LBB1_5:
0x19: {  	p1 =	slt.u32 s11, $0x2  }
0x1a: {  	p2 =	sgt.s32 @!p1 s12, $0x2FFF80  }
0x1b: {  	s13 =	smov.u32 s12;
	s14 =	sshra.s32 @!p1 s12, $0x1F;
	p2 =	por !p2, p1  }
0x1c: {  	s12 =	sand.u32 @!p1 s14, s12;
	s13 =	simm.s32 @p2 $0x2FFF80  }
0x1d: {  	s12 =	ssub.s32 @!p1 s13, s12  }
0x1e: {  	s12 =	sadd.s32 @!p1 $0xFFD00080, s12  }
0x1f: {  	s13 =	sshll.u32 @!p1 s12, $0x4  }
0x20: {  	p2 =	sgt.s32 @!p1 s12, $0x7F;
	s12 =	ssub.s32 @!p1 $0x800, s13  }
0x21: {  	s14 =	sadd.s32 $0x1000, s10;
	p2 =	por !p2, p1;
	s12 =	sshrl.u32 @!p1 s12, $0x2  }
0x22: {  	s12 =	simm.s32 @!p2 $0x0;
	p2 =	sgt.s32 s14, $0x2FFFFF  }
0x23: {  	s14 =	smov.u32 @p2 s3;
	p2 =	sne.s32 s11, s7  }
.Ltmp1:
0x24: {  	_ = 	snop;
	(pc) =	sbr.rel @!p2 .LBB1_6-.Ltmp1, $4  }
0x25: {  	s13 =	simm.s32 @!p1 $0x2  }
0x26: {  	p0 =	por !p0, !p0;
	_ =	swait.ge @!p1 [sflag:s13], s12;
	s15 =	ssub.s32 @!p1 $0x0, s12  }
0x27: {  	s12 =	smov.u32 s9;
	s11 =	sadd.s32 $0x1, s11;
	[sflag:s13] =	ssyncset.done @!p1 $0x0  }
0x28: {  	s9 =	smov.u32 s10;
	s10 =	smov.u32 s14;
	[sflag:s13] =	ssyncadd.s32 @!p1 s15  }
.LBB1_1:
0x29: {  	p1 =	sge.u32 s11, s6  }
0x2a: {  	s13 =	sand.u32 @!p1 $0x1FFFFFF, s10  }
0x2b: {  	s14 =	smulhi.u32 @!p1 $0xAAAAAB, s13;
	_ =	sdelay $0x1  }
0x2c: {  	s14 =	sshrl.u32 @!p1 s14, $0xD  }
0x2d: {  	s14 =	smul.u32 @!p1 $0x300000, s14;
	_ =	sdelay $0x1  }
0x2e: {  	s31 =	sadd.s32 $0xFFFFFFFF, s11;
	s15 =	sxor.u32 @!p1 $0xFFFFFFFF, s11;
	s13 =	ssub.s32 @!p1 s13, s14  }
0x2f: {  	s16 =	simm.s32 @!p1 $0x80;
	s15 =	sshll.u32 @!p1 s15, $0xC;
	s13 =	sshll.u32 @!p1 s13, $0x4  }
0x30: {  	s14 =	sand.u32 @!p1 $0x1000, s15;
	s15 =	simm.s32 @!p1 $0x20;
	s13 =	sadd.s32 @!p1 s5, s13  }
0x31: {  	[tilespmem:s14], [sflag:$0x1] =	stream.strided.gather @!p1 [hbm4b:s13+s15], $0x1000, s16, s15, $0x38;
	[tilespmem:$0x4040] =	vst v63  }
0x32: {  	p1 =	sge.u32 s31, s6  }
.Ltmp2:
0x33: {  	_ = 	snop;
	(pc) =	sbr.rel @p1 .LBB1_5-.Ltmp2, $1  }
0x34: {  	_ =	sdelay $0x3  }
0x35: {  	s13 =	simm.s32 $0x1  }
0x36: {  	_ =	swait.ge [sflag:s4], $0x1000;
	s13 =	simm.s32 @!p0 $0x0  }
0x37: {  	[sflag:s4] =	ssyncset.done $0x0;
	s14 =	sshll.u32 s13, $0xC  }
0x38: {  	[sflag:s4] =	ssyncadd.s32 $0xFFFFF000;
	s17 =	sor.u32 $0x10, s14  }
0x39: {  	s13 =	smul.u32 $0x4080, s13;
	v1 =	vld [tilespmem:s17+$0x0]  }
0x3a: {  	s30 =	sand.u32 $0x1, s11;
	v0 =	vld [tilespmem:s17+$0xFFFFFFF0]  }
0x3b: {  	s14 =	smul.u32 $0x4080, s30;
	s13 =	sshrl.u32 s13, $0x2  }
0x3c: {  	s15 =	sor.u32 $0x2000, s13  }
0x3d: {  	s31 =	sshrl.u32 s14, $0x2;
	s14 =	sadd.s32 $0x0, s15  }
0x3e: {  	s16 =	simm.s32 $0x4;
	s17 =	sadd.s32 $0x20, s17;
	s13 =	sor.u32 $0x2000, s31;
	[tilespmem:s14+$0x810 ss:$0x81] =	vst.msk $0xffff, v1  }
.LBB1_3:
0x3f: {  	v1 =	vld [tilespmem:s17+$0x0];
	p1 =	sne.s32 s16, $0x1FC;
	[tilespmem:s14+$0x0 ss:$0x81] =	vst.msk $0xffff, v0;
	s14 =	smov.u32 s16;
	s16 =	sadd.s32 $0x4, s16  }
.Ltmp3:
0x40: {  	v0 =	vld [tilespmem:s17+$0xFFFFFFF0];
	(pc) =	sbr.rel @p1 .LBB1_3-.Ltmp3, $4  }
0x41: {  	_ = 	snop  }
0x42: {  	s14 =	sshra.s32 s14, $0x2  }
0x43: {  	s14 =	sadd.s32 s14, s15  }
0x44: {  	s17 =	sadd.s32 $0x20, s17;
	[tilespmem:s14+$0x810 ss:$0x81] =	vst.msk $0xffff, v1  }
.Ltmp4:
0x45: {  	_ = 	snop;
	(pc) =	sbr.rel .LBB1_4-.Ltmp4, $1  }
0x46: {  	_ =	sdelay $0x3  }
.LBB1_6:
0x47: {  	_ =	sfence.sel $0x180000  }
0x48: {  	s2 =	simm.s32 $0x1;
	[bflag:$0x0] =	sbarrier.arrive $0xFFFF  }
0x49: {  	s31 =	simm.s32 $0x2;
	[sflag:s2] =	ssyncpa.u1 $0x1  }
0x4a: {  	[sflag:s31] =	ssyncpa.u1 $0x1  }
0x4b: {  	p0 =	sne.s32 s0, $0x0;
	_ =	strace $0x90000050  }
0x4c: {  	s0 =	sadd.s32 @!p0 $0x100000, s1;
	[bflag:$0x2] =	sbarrier.arrive $0xFFFF  }
0x4d: {  	[sflag:s0] =	ssyncadd.tile.s32 @!p0 $0x1;
	_ =	shalt  }
.Lfunc_end1:
_tile_overlayer_lowered:
.L_overlay_start_2:
0x4e: {  	(tag) =	ssettag $0x2  }
0x4f: {  	s0 =	rddreg [dreg:$0x0];
	s2 =	stileid.u32  }
0x50: {  	s1 =	rddreg [dreg:$0x1];
	p0 =	sne.s32 s2, $0x0  }
0x51: {  	s3 =	rddreg [dreg:$0x2];
	[bflag:$0x3] =	sbarrier.arrive $0xFFFF;
	s2 =	simm.s32 @!p0 $0x1C01  }
0x52: {  	[timem:s3], [sflag:s2] =	dma.local @!p0 [hbm:s0], s1  }
0x53: {  	s0 =	simm.s32 @!p0 $0x1  }
0x54: {  	_ =	swait.ge @!p0 [sflag:s0], s1  }
0x55: {  	s1 =	ssub.s32 @!p0 $0x0, s1;
	[sflag:s0] =	ssyncset.done @!p0 $0x0  }
0x56: {  	[sflag:s0] =	ssyncadd.s32 @!p0 s1  }
0x57: {  	[bflag:$0x3] =	sbarrier.arrive $0xFFFF  }
0x58: {  	_ =	shalt  }

</sc_bundles>
